<compile_context>
chip_gen: v7x
topology: tpu7x:2x2x1
jax: 0.10.2.dev20260603
libtpu: 0.0.44.dev20260713+nightly
codegen_flags: <defaults>
</compile_context>

<pallas_src>
import functools

import jax
import jax.numpy as jnp
from jax import lax
from jax.experimental import pallas as pl
from jax.experimental.pallas import tpu as pltpu
from jax.experimental.pallas import tpu_sc as plsc

_PLACEHOLDER_TOKEN = 42
_B = 1024
_N = 77
_D = 768
_ROWS = _B * _N
_NC = 2
_NS = 16
_NW = _NC * _NS
_PER_W = _ROWS // _NW
_LANES = 16
_CHUNKS = _PER_W // _LANES


@functools.partial(
    pl.kernel,
    out_type=(),
    mesh=plsc.VectorSubcoreMesh(core_axis_name="c", subcore_axis_name="s"),
    compiler_params=pltpu.CompilerParams(use_tc_tiling_on_sc=True),
    scratch_types=[
        pltpu.VMEM((_PER_W,), jnp.int32),
        pltpu.VMEM((_D,), jnp.float32),
    ],
)
def _sc_scatter(tok_hbm, ph_hbm, out_hbm, tok_v, src_v):
    wid = lax.axis_index("s") * _NC + lax.axis_index("c")
    base = wid * _PER_W
    pltpu.sync_copy(tok_hbm.at[pl.ds(base, _PER_W)], tok_v)
    pltpu.sync_copy(ph_hbm.at[0], src_v)
    zeros = jnp.full((_LANES,), 0, jnp.int32)
    ones = jnp.full((_LANES,), 1, jnp.int32)

    def scan_chunk(i, acc):
        tok = tok_v[pl.ds(i * _LANES, _LANES)]
        return acc | jnp.where(tok == _PLACEHOLDER_TOKEN, ones, zeros)

    acc = lax.fori_loop(0, _CHUNKS, scan_chunk, zeros)

    any_match = acc[0]
    for j in range(1, _LANES):
        any_match = any_match | acc[j]

    @pl.when(any_match > 0)
    def _():
        def fix_chunk(i, carry):
            tok = tok_v[pl.ds(i * _LANES, _LANES)]
            start = base + i * _LANES
            for j in range(_LANES):
                @pl.when(tok[j] == _PLACEHOLDER_TOKEN)
                def _():
                    pltpu.sync_copy(src_v, out_hbm.at[start + j])
            return carry

        lax.fori_loop(0, _CHUNKS, fix_chunk, 0)


def kernel(reference_img, tokenized_text, embedded_text, placeholder_embedding):
    tok = tokenized_text.transpose(1, 0).reshape(_ROWS)
    emb = embedded_text.transpose(1, 0, 2).reshape(_ROWS, _D)
    out_ref = jax.new_ref(emb)
    _sc_scatter(tok, placeholder_embedding, out_ref)
    return out_ref[...].reshape(_N, _B, _D).transpose(1, 0, 2)

# --- scband reference (transcript-rebuilt; emitter-appended) ---
"""Pipeline reference for scband-embedding-manager-64269890617817 (READ-ONLY COPY).

The authoritative reference and input builder live on the scoring server;
editing this copy changes nothing except your own understanding.
"""

import jax, jax.numpy as jnp
import numpy as np

# The original module resolves placeholder strings to CLIP token ids via the tokenizer.
# We model a single placeholder string mapping to a fixed token id, and its learned
# per-token embedding parameter (num_vectors_per_token=1, token_dim=768).
PLACEHOLDER_TOKEN = 42
TOKEN_DIM = 768
NUM_VECTORS_PER_TOKEN = 1


def setup_inputs(seed=0) -> dict:
    key = jax.random.key(seed)
    k1, k2, k3, k4 = jax.random.split(key, 4)
    reference_img = jax.random.normal(k1, (1024, 512), dtype=jnp.float32)
    tokenized_text = jax.random.randint(k2, (1024, 77), 0, 49408, dtype=jnp.int32)
    embedded_text = jax.random.normal(k3, (1024, 77, TOKEN_DIM), dtype=jnp.float32)
    # learned parameter: string_to_param_dict['*'] of shape [num_vectors_per_token, 768]
    placeholder_embedding = jax.random.normal(k4, (NUM_VECTORS_PER_TOKEN, TOKEN_DIM), dtype=jnp.float32) * 0.02
    return {
        "reference_img": reference_img,
        "tokenized_text": tokenized_text,
        "embedded_text": embedded_text,
        "placeholder_embedding": placeholder_embedding,
    }


def reference(reference_img, tokenized_text, embedded_text, placeholder_embedding):
    # Faithful translation of EmbeddingManager.forward:
    #   placeholder_idx = torch.where(tokenized_text == placeholder_token)
    #   embedded_text[placeholder_idx] = placeholder_embedding   # broadcast [1,768] into matches
    # With num_vectors_per_token=1 this is a masked scatter-overwrite of the [768] vector
    # into every (b, n) position whose token id equals the placeholder token.
    mask = (tokenized_text == PLACEHOLDER_TOKEN)  # [B, N] bool
    out = jnp.where(mask[..., None], placeholder_embedding[0][None, None, :], embedded_text)
    zero = (reference_img[0, 0] * 0.0).astype(embedded_text.dtype)
    return out + zero

if __name__ == "__main__":
    import jax
    _d = setup_inputs()
    print(jax.jit(kernel)(*tuple(_d.values())))

</pallas_src>

<mosaic_0001>
#map = affine_map<(d0, d1) -> (0)>
#map1 = affine_map<(d0, d1) -> (0, 0)>
module attributes {stable_mosaic.version = 14 : i64} {
  func.func @new_body(%arg0: i32, %arg1: i32, %arg2: memref<78848xi32, #tpu.memory_space<hbm>>, %arg3: memref<1x768xf32, #tpu.memory_space<hbm>>, %arg4: memref<78848x768xf32, #tpu.memory_space<hbm>>, %arg5: memref<78848x768xf32, #tpu.memory_space<hbm>>, %arg6: memref<2464xi32, #tpu.memory_space<vmem>>, %arg7: memref<768xf32, #tpu.memory_space<vmem>>) attributes {dimension_semantics = [#tpu.dimension_semantics<core_parallel>, #tpu.dimension_semantics<subcore_parallel>], iteration_bounds = array<i64: 2, 16>, scalar_prefetch = 0 : i64, scratch_operands = 2 : i64, tpu.core_type = #tpu.core_type<sc_vector_subcore>, window_params = [{transform_indices = #map}, {transform_indices = #map1}, {transform_indices = #map1}, {transform_indices = #map1}]} {
    %mul3A = arith.constant 2 : i32
    %mul3A_0 = arith.muli %arg1, %mul3A : i32
    %add3A = arith.addi %mul3A_0, %arg0 : i32
    %mul3A_1 = arith.constant 2464 : i32
    %mul3A_2 = arith.muli %add3A, %mul3A_1 : i32
    "tpu.region"() ({
      %run_scoped3A_57 = tpu.sem_alloc : memref<!tpu.dma_semaphore, #tpu.memory_space<semaphore_mem>>
      %dma_start3A = tpu.memref_slice %arg2[%mul3A_2] : memref<78848xi32, #tpu.memory_space<hbm>> -> memref<2464xi32, #tpu.memory_space<hbm>>
      %dma_start3A_58 = tpu.memref_slice %arg2[%mul3A_2] : memref<78848xi32, #tpu.memory_space<hbm>> -> memref<2464xi32, #tpu.memory_space<hbm>>
      tpu.enqueue_dma source(%dma_start3A_58 : memref<2464xi32, #tpu.memory_space<hbm>>) target(%arg6 : memref<2464xi32, #tpu.memory_space<vmem>>) target_semaphore(%run_scoped3A_57 : memref<!tpu.dma_semaphore, #tpu.memory_space<semaphore_mem>>)
      %dma_wait3A = tpu.memref_slice %arg2[%mul3A_2] : memref<78848xi32, #tpu.memory_space<hbm>> -> memref<2464xi32, #tpu.memory_space<hbm>>
      %dma_wait3A_59 = tpu.memref_slice %arg2[%mul3A_2] : memref<78848xi32, #tpu.memory_space<hbm>> -> memref<2464xi32, #tpu.memory_space<hbm>>
      tpu.wait_dma2 semaphore(%run_scoped3A_57 : memref<!tpu.dma_semaphore, #tpu.memory_space<semaphore_mem>>) src(%dma_wait3A_59 : memref<2464xi32, #tpu.memory_space<hbm>>) dst(%arg6 : memref<2464xi32, #tpu.memory_space<vmem>>)
      tpu.yield
    }) : () -> ()
    %run_scoped3A = arith.constant 0 : i32
    "tpu.region"() ({
      %run_scoped3A_57 = tpu.sem_alloc : memref<!tpu.dma_semaphore, #tpu.memory_space<semaphore_mem>>
      %dma_start3A = arith.constant 0 : i32
      %dma_start3A_58 = tpu.memref_slice %arg3[%run_scoped3A, %dma_start3A] : memref<1x768xf32, #tpu.memory_space<hbm>> -> memref<1x768xf32, #tpu.memory_space<hbm>>
      %dma_start3A_59 = tpu.memref_squeeze %dma_start3A_58 : memref<1x768xf32, #tpu.memory_space<hbm>> -> memref<768xf32, #tpu.memory_space<hbm>>
      %dma_start3A_60 = arith.constant 0 : i32
      %dma_start3A_61 = tpu.memref_slice %arg3[%run_scoped3A, %dma_start3A_60] : memref<1x768xf32, #tpu.memory_space<hbm>> -> memref<1x768xf32, #tpu.memory_space<hbm>>
      %dma_start3A_62 = tpu.memref_squeeze %dma_start3A_61 : memref<1x768xf32, #tpu.memory_space<hbm>> -> memref<768xf32, #tpu.memory_space<hbm>>
      tpu.enqueue_dma source(%dma_start3A_62 : memref<768xf32, #tpu.memory_space<hbm>>) target(%arg7 : memref<768xf32, #tpu.memory_space<vmem>>) target_semaphore(%run_scoped3A_57 : memref<!tpu.dma_semaphore, #tpu.memory_space<semaphore_mem>>)
      %dma_wait3A = arith.constant 0 : i32
      %dma_wait3A_63 = tpu.memref_slice %arg3[%run_scoped3A, %dma_wait3A] : memref<1x768xf32, #tpu.memory_space<hbm>> -> memref<1x768xf32, #tpu.memory_space<hbm>>
      %dma_wait3A_64 = tpu.memref_squeeze %dma_wait3A_63 : memref<1x768xf32, #tpu.memory_space<hbm>> -> memref<768xf32, #tpu.memory_space<hbm>>
      %dma_wait3A_65 = arith.constant 0 : i32
      %dma_wait3A_66 = tpu.memref_slice %arg3[%run_scoped3A, %dma_wait3A_65] : memref<1x768xf32, #tpu.memory_space<hbm>> -> memref<1x768xf32, #tpu.memory_space<hbm>>
      %dma_wait3A_67 = tpu.memref_squeeze %dma_wait3A_66 : memref<1x768xf32, #tpu.memory_space<hbm>> -> memref<768xf32, #tpu.memory_space<hbm>>
      tpu.wait_dma2 semaphore(%run_scoped3A_57 : memref<!tpu.dma_semaphore, #tpu.memory_space<semaphore_mem>>) src(%dma_wait3A_67 : memref<768xf32, #tpu.memory_space<hbm>>) dst(%arg7 : memref<768xf32, #tpu.memory_space<vmem>>)
      tpu.yield
    }) : () -> ()
    %broadcast_in_dim3A = arith.constant 0 : i32
    %broadcast_in_dim3A_3 = vector.broadcast %broadcast_in_dim3A : i32 to vector<16xi32>
    %broadcast_in_dim3A_4 = arith.constant 1 : i32
    %broadcast_in_dim3A_5 = vector.broadcast %broadcast_in_dim3A_4 : i32 to vector<16xi32>
    %scan3A = arith.constant 0 : i32
    %scan3A_6 = arith.constant 154 : i32
    %scan3A_7 = arith.addi %scan3A, %scan3A_6 : i32
    %scan3A_8 = arith.constant 1 : i32
    %scan3A_9 = scf.for %scan3A_57 = %scan3A to %scan3A_7 step %scan3A_8 iter_args(%scan3A_58 = %broadcast_in_dim3A_3) -> (vector<16xi32>)  : i32 {
      %mul3A_59 = arith.constant 16 : i32
      %mul3A_60 = arith.muli %scan3A_57, %mul3A_59 : i32
      %get3A = arith.index_cast %mul3A_60 : i32 to index
      %get3A_61 = tpu.vector_load %arg6[%get3A] {strides = array<i32>} : memref<2464xi32, #tpu.memory_space<vmem>>, vector<16xi32>,
      %get3A_62 = vector.shape_cast %get3A_61 : vector<16xi32> to vector<16xi32>
      %eq3A = arith.constant 42 : i32
      %eq3A_63 = vector.broadcast %eq3A : i32 to vector<16xi32>
      %eq3A_64 = arith.cmpi eq, %get3A_62, %eq3A_63 : vector<16xi32>
      %select_n3A = arith.select %eq3A_64, %broadcast_in_dim3A_5, %broadcast_in_dim3A_3 : vector<16xi1>, vector<16xi32>
      %or3A_65 = arith.ori %scan3A_58, %select_n3A : vector<16xi32>
      scf.yield %or3A_65 : vector<16xi32>
    }
    %scan3A_10 = arith.constant 154 : i32
    %slice3A = vector.extract_strided_slice %scan3A_9 {offsets = [0], sizes = [1], strides = [1]} : vector<16xi32> to vector<1xi32>
    %squeeze3A = vector.extract %slice3A[0] : i32 from vector<1xi32>
    %slice3A_11 = vector.extract_strided_slice %scan3A_9 {offsets = [1], sizes = [1], strides = [1]} : vector<16xi32> to vector<1xi32>
    %squeeze3A_12 = vector.extract %slice3A_11[0] : i32 from vector<1xi32>
    %or3A = arith.ori %squeeze3A, %squeeze3A_12 : i32
    %slice3A_13 = vector.extract_strided_slice %scan3A_9 {offsets = [2], sizes = [1], strides = [1]} : vector<16xi32> to vector<1xi32>
    %squeeze3A_14 = vector.extract %slice3A_13[0] : i32 from vector<1xi32>
    %or3A_15 = arith.ori %or3A, %squeeze3A_14 : i32
    %slice3A_16 = vector.extract_strided_slice %scan3A_9 {offsets = [3], sizes = [1], strides = [1]} : vector<16xi32> to vector<1xi32>
    %squeeze3A_17 = vector.extract %slice3A_16[0] : i32 from vector<1xi32>
    %or3A_18 = arith.ori %or3A_15, %squeeze3A_17 : i32
    %slice3A_19 = vector.extract_strided_slice %scan3A_9 {offsets = [4], sizes = [1], strides = [1]} : vector<16xi32> to vector<1xi32>
    %squeeze3A_20 = vector.extract %slice3A_19[0] : i32 from vector<1xi32>
    %or3A_21 = arith.ori %or3A_18, %squeeze3A_20 : i32
    %slice3A_22 = vector.extract_strided_slice %scan3A_9 {offsets = [5], sizes = [1], strides = [1]} : vector<16xi32> to vector<1xi32>
    %squeeze3A_23 = vector.extract %slice3A_22[0] : i32 from vector<1xi32>
    %or3A_24 = arith.ori %or3A_21, %squeeze3A_23 : i32
    %slice3A_25 = vector.extract_strided_slice %scan3A_9 {offsets = [6], sizes = [1], strides = [1]} : vector<16xi32> to vector<1xi32>
    %squeeze3A_26 = vector.extract %slice3A_25[0] : i32 from vector<1xi32>
    %or3A_27 = arith.ori %or3A_24, %squeeze3A_26 : i32
    %slice3A_28 = vector.extract_strided_slice %scan3A_9 {offsets = [7], sizes = [1], strides = [1]} : vector<16xi32> to vector<1xi32>
    %squeeze3A_29 = vector.extract %slice3A_28[0] : i32 from vector<1xi32>
    %or3A_30 = arith.ori %or3A_27, %squeeze3A_29 : i32
    %slice3A_31 = vector.extract_strided_slice %scan3A_9 {offsets = [8], sizes = [1], strides = [1]} : vector<16xi32> to vector<1xi32>
    %squeeze3A_32 = vector.extract %slice3A_31[0] : i32 from vector<1xi32>
    %or3A_33 = arith.ori %or3A_30, %squeeze3A_32 : i32
    %slice3A_34 = vector.extract_strided_slice %scan3A_9 {offsets = [9], sizes = [1], strides = [1]} : vector<16xi32> to vector<1xi32>
    %squeeze3A_35 = vector.extract %slice3A_34[0] : i32 from vector<1xi32>
    %or3A_36 = arith.ori %or3A_33, %squeeze3A_35 : i32
    %slice3A_37 = vector.extract_strided_slice %scan3A_9 {offsets = [10], sizes = [1], strides = [1]} : vector<16xi32> to vector<1xi32>
    %squeeze3A_38 = vector.extract %slice3A_37[0] : i32 from vector<1xi32>
    %or3A_39 = arith.ori %or3A_36, %squeeze3A_38 : i32
    %slice3A_40 = vector.extract_strided_slice %scan3A_9 {offsets = [11], sizes = [1], strides = [1]} : vector<16xi32> to vector<1xi32>
    %squeeze3A_41 = vector.extract %slice3A_40[0] : i32 from vector<1xi32>
    %or3A_42 = arith.ori %or3A_39, %squeeze3A_41 : i32
    %slice3A_43 = vector.extract_strided_slice %scan3A_9 {offsets = [12], sizes = [1], strides = [1]} : vector<16xi32> to vector<1xi32>
    %squeeze3A_44 = vector.extract %slice3A_43[0] : i32 from vector<1xi32>
    %or3A_45 = arith.ori %or3A_42, %squeeze3A_44 : i32
    %slice3A_46 = vector.extract_strided_slice %scan3A_9 {offsets = [13], sizes = [1], strides = [1]} : vector<16xi32> to vector<1xi32>
    %squeeze3A_47 = vector.extract %slice3A_46[0] : i32 from vector<1xi32>
    %or3A_48 = arith.ori %or3A_45, %squeeze3A_47 : i32
    %slice3A_49 = vector.extract_strided_slice %scan3A_9 {offsets = [14], sizes = [1], strides = [1]} : vector<16xi32> to vector<1xi32>
    %squeeze3A_50 = vector.extract %slice3A_49[0] : i32 from vector<1xi32>
    %or3A_51 = arith.ori %or3A_48, %squeeze3A_50 : i32
    %slice3A_52 = vector.extract_strided_slice %scan3A_9 {offsets = [15], sizes = [1], strides = [1]} : vector<16xi32> to vector<1xi32>
    %squeeze3A_53 = vector.extract %slice3A_52[0] : i32 from vector<1xi32>
    %or3A_54 = arith.ori %or3A_51, %squeeze3A_53 : i32
    %gt3A = arith.constant 0 : i32
    %gt3A_55 = arith.cmpi sgt, %or3A_54, %gt3A : i32
    %convert_element_type3A = arith.extui %gt3A_55 : i1 to i32
    %cond3A = arith.constant 0 : i32
    %cond3A_56 = arith.cmpi ne, %convert_element_type3A, %cond3A : i32
    scf.if %cond3A_56 {
      %scan3A_57 = arith.constant 0 : i32
      %scan3A_58 = arith.constant 0 : i32
      %scan3A_59 = arith.constant 154 : i32
      %scan3A_60 = arith.addi %scan3A_58, %scan3A_59 : i32
      %scan3A_61 = arith.constant 1 : i32
      scf.for %scan3A_63 = %scan3A_58 to %scan3A_60 step %scan3A_61  : i32 {
        %mul3A_64 = arith.constant 16 : i32
        %mul3A_65 = arith.muli %scan3A_63, %mul3A_64 : i32
        %get3A = arith.index_cast %mul3A_65 : i32 to index
        %get3A_66 = tpu.vector_load %arg6[%get3A] {strides = array<i32>} : memref<2464xi32, #tpu.memory_space<vmem>>, vector<16xi32>,
        %get3A_67 = vector.shape_cast %get3A_66 : vector<16xi32> to vector<16xi32>
        %mul3A_68 = arith.constant 16 : i32
        %mul3A_69 = arith.muli %scan3A_63, %mul3A_68 : i32
        %add3A_70 = arith.addi %mul3A_2, %mul3A_69 : i32
        %slice3A_71 = vector.extract_strided_slice %get3A_67 {offsets = [0], sizes = [1], strides = [1]} : vector<16xi32> to vector<1xi32>
        %squeeze3A_72 = vector.extract %slice3A_71[0] : i32 from vector<1xi32>
        %eq3A = arith.constant 42 : i32
        %eq3A_73 = arith.cmpi eq, %squeeze3A_72, %eq3A : i32
        %convert_element_type3A_74 = arith.extui %eq3A_73 : i1 to i32
        %cond3A_75 = arith.constant 0 : i32
        %cond3A_76 = arith.cmpi ne, %convert_element_type3A_74, %cond3A_75 : i32
        scf.if %cond3A_76 {
          %add3A_182 = arith.constant 0 : i32
          %add3A_183 = arith.addi %add3A_70, %add3A_182 : i32
          "tpu.region"() ({
            %run_scoped3A_184 = tpu.sem_alloc : memref<!tpu.dma_semaphore, #tpu.memory_space<semaphore_mem>>
            %dma_start3A = arith.constant 0 : i32
            %dma_start3A_185 = tpu.memref_slice %arg4[%add3A_183, %dma_start3A] : memref<78848x768xf32, #tpu.memory_space<hbm>> -> memref<1x768xf32, #tpu.memory_space<hbm>>
            %dma_start3A_186 = tpu.memref_squeeze %dma_start3A_185 : memref<1x768xf32, #tpu.memory_space<hbm>> -> memref<768xf32, #tpu.memory_space<hbm>>
            %dma_start3A_187 = arith.constant 0 : i32
            %dma_start3A_188 = tpu.memref_slice %arg4[%add3A_183, %dma_start3A_187] : memref<78848x768xf32, #tpu.memory_space<hbm>> -> memref<1x768xf32, #tpu.memory_space<hbm>>
            %dma_start3A_189 = tpu.memref_squeeze %dma_start3A_188 : memref<1x768xf32, #tpu.memory_space<hbm>> -> memref<768xf32, #tpu.memory_space<hbm>>
            tpu.enqueue_dma source(%arg7 : memref<768xf32, #tpu.memory_space<vmem>>) target(%dma_start3A_189 : memref<768xf32, #tpu.memory_space<hbm>>) target_semaphore(%run_scoped3A_184 : memref<!tpu.dma_semaphore, #tpu.memory_space<semaphore_mem>>)
            %dma_wait3A = arith.constant 0 : i32
            %dma_wait3A_190 = tpu.memref_slice %arg4[%add3A_183, %dma_wait3A] : memref<78848x768xf32, #tpu.memory_space<hbm>> -> memref<1x768xf32, #tpu.memory_space<hbm>>
            %dma_wait3A_191 = tpu.memref_squeeze %dma_wait3A_190 : memref<1x768xf32, #tpu.memory_space<hbm>> -> memref<768xf32, #tpu.memory_space<hbm>>
            %dma_wait3A_192 = arith.constant 0 : i32
            %dma_wait3A_193 = tpu.memref_slice %arg4[%add3A_183, %dma_wait3A_192] : memref<78848x768xf32, #tpu.memory_space<hbm>> -> memref<1x768xf32, #tpu.memory_space<hbm>>
            %dma_wait3A_194 = tpu.memref_squeeze %dma_wait3A_193 : memref<1x768xf32, #tpu.memory_space<hbm>> -> memref<768xf32, #tpu.memory_space<hbm>>
            tpu.wait_dma2 semaphore(%run_scoped3A_184 : memref<!tpu.dma_semaphore, #tpu.memory_space<semaphore_mem>>) src(%arg7 : memref<768xf32, #tpu.memory_space<vmem>>) dst(%dma_wait3A_194 : memref<768xf32, #tpu.memory_space<hbm>>)
            tpu.yield
          }) : () -> ()
        } else {
        }
        %slice3A_77 = vector.extract_strided_slice %get3A_67 {offsets = [1], sizes = [1], strides = [1]} : vector<16xi32> to vector<1xi32>
        %squeeze3A_78 = vector.extract %slice3A_77[0] : i32 from vector<1xi32>
        %eq3A_79 = arith.constant 42 : i32
        %eq3A_80 = arith.cmpi eq, %squeeze3A_78, %eq3A_79 : i32
        %convert_element_type3A_81 = arith.extui %eq3A_80 : i1 to i32
        %cond3A_82 = arith.constant 0 : i32
        %cond3A_83 = arith.cmpi ne, %convert_element_type3A_81, %cond3A_82 : i32
        scf.if %cond3A_83 {
          %add3A_182 = arith.constant 1 : i32
          %add3A_183 = arith.addi %add3A_70, %add3A_182 : i32
          "tpu.region"() ({
            %run_scoped3A_184 = tpu.sem_alloc : memref<!tpu.dma_semaphore, #tpu.memory_space<semaphore_mem>>
            %dma_start3A = arith.constant 0 : i32
            %dma_start3A_185 = tpu.memref_slice %arg4[%add3A_183, %dma_start3A] : memref<78848x768xf32, #tpu.memory_space<hbm>> -> memref<1x768xf32, #tpu.memory_space<hbm>>
            %dma_start3A_186 = tpu.memref_squeeze %dma_start3A_185 : memref<1x768xf32, #tpu.memory_space<hbm>> -> memref<768xf32, #tpu.memory_space<hbm>>
            %dma_start3A_187 = arith.constant 0 : i32
            %dma_start3A_188 = tpu.memref_slice %arg4[%add3A_183, %dma_start3A_187] : memref<78848x768xf32, #tpu.memory_space<hbm>> -> memref<1x768xf32, #tpu.memory_space<hbm>>
            %dma_start3A_189 = tpu.memref_squeeze %dma_start3A_188 : memref<1x768xf32, #tpu.memory_space<hbm>> -> memref<768xf32, #tpu.memory_space<hbm>>
            tpu.enqueue_dma source(%arg7 : memref<768xf32, #tpu.memory_space<vmem>>) target(%dma_start3A_189 : memref<768xf32, #tpu.memory_space<hbm>>) target_semaphore(%run_scoped3A_184 : memref<!tpu.dma_semaphore, #tpu.memory_space<semaphore_mem>>)
            %dma_wait3A = arith.constant 0 : i32
            %dma_wait3A_190 = tpu.memref_slice %arg4[%add3A_183, %dma_wait3A] : memref<78848x768xf32, #tpu.memory_space<hbm>> -> memref<1x768xf32, #tpu.memory_space<hbm>>
            %dma_wait3A_191 = tpu.memref_squeeze %dma_wait3A_190 : memref<1x768xf32, #tpu.memory_space<hbm>> -> memref<768xf32, #tpu.memory_space<hbm>>
            %dma_wait3A_192 = arith.constant 0 : i32
            %dma_wait3A_193 = tpu.memref_slice %arg4[%add3A_183, %dma_wait3A_192] : memref<78848x768xf32, #tpu.memory_space<hbm>> -> memref<1x768xf32, #tpu.memory_space<hbm>>
            %dma_wait3A_194 = tpu.memref_squeeze %dma_wait3A_193 : memref<1x768xf32, #tpu.memory_space<hbm>> -> memref<768xf32, #tpu.memory_space<hbm>>
            tpu.wait_dma2 semaphore(%run_scoped3A_184 : memref<!tpu.dma_semaphore, #tpu.memory_space<semaphore_mem>>) src(%arg7 : memref<768xf32, #tpu.memory_space<vmem>>) dst(%dma_wait3A_194 : memref<768xf32, #tpu.memory_space<hbm>>)
            tpu.yield
          }) : () -> ()
        } else {
        }
        %slice3A_84 = vector.extract_strided_slice %get3A_67 {offsets = [2], sizes = [1], strides = [1]} : vector<16xi32> to vector<1xi32>
        %squeeze3A_85 = vector.extract %slice3A_84[0] : i32 from vector<1xi32>
        %eq3A_86 = arith.constant 42 : i32
        %eq3A_87 = arith.cmpi eq, %squeeze3A_85, %eq3A_86 : i32
        %convert_element_type3A_88 = arith.extui %eq3A_87 : i1 to i32
        %cond3A_89 = arith.constant 0 : i32
        %cond3A_90 = arith.cmpi ne, %convert_element_type3A_88, %cond3A_89 : i32
        scf.if %cond3A_90 {
          %add3A_182 = arith.constant 2 : i32
          %add3A_183 = arith.addi %add3A_70, %add3A_182 : i32
          "tpu.region"() ({
            %run_scoped3A_184 = tpu.sem_alloc : memref<!tpu.dma_semaphore, #tpu.memory_space<semaphore_mem>>
            %dma_start3A = arith.constant 0 : i32
            %dma_start3A_185 = tpu.memref_slice %arg4[%add3A_183, %dma_start3A] : memref<78848x768xf32, #tpu.memory_space<hbm>> -> memref<1x768xf32, #tpu.memory_space<hbm>>
            %dma_start3A_186 = tpu.memref_squeeze %dma_start3A_185 : memref<1x768xf32, #tpu.memory_space<hbm>> -> memref<768xf32, #tpu.memory_space<hbm>>
            %dma_start3A_187 = arith.constant 0 : i32
            %dma_start3A_188 = tpu.memref_slice %arg4[%add3A_183, %dma_start3A_187] : memref<78848x768xf32, #tpu.memory_space<hbm>> -> memref<1x768xf32, #tpu.memory_space<hbm>>
            %dma_start3A_189 = tpu.memref_squeeze %dma_start3A_188 : memref<1x768xf32, #tpu.memory_space<hbm>> -> memref<768xf32, #tpu.memory_space<hbm>>
            tpu.enqueue_dma source(%arg7 : memref<768xf32, #tpu.memory_space<vmem>>) target(%dma_start3A_189 : memref<768xf32, #tpu.memory_space<hbm>>) target_semaphore(%run_scoped3A_184 : memref<!tpu.dma_semaphore, #tpu.memory_space<semaphore_mem>>)
            %dma_wait3A = arith.constant 0 : i32
            %dma_wait3A_190 = tpu.memref_slice %arg4[%add3A_183, %dma_wait3A] : memref<78848x768xf32, #tpu.memory_space<hbm>> -> memref<1x768xf32, #tpu.memory_space<hbm>>
            %dma_wait3A_191 = tpu.memref_squeeze %dma_wait3A_190 : memref<1x768xf32, #tpu.memory_space<hbm>> -> memref<768xf32, #tpu.memory_space<hbm>>
            %dma_wait3A_192 = arith.constant 0 : i32
            %dma_wait3A_193 = tpu.memref_slice %arg4[%add3A_183, %dma_wait3A_192] : memref<78848x768xf32, #tpu.memory_space<hbm>> -> memref<1x768xf32, #tpu.memory_space<hbm>>
            %dma_wait3A_194 = tpu.memref_squeeze %dma_wait3A_193 : memref<1x768xf32, #tpu.memory_space<hbm>> -> memref<768xf32, #tpu.memory_space<hbm>>
            tpu.wait_dma2 semaphore(%run_scoped3A_184 : memref<!tpu.dma_semaphore, #tpu.memory_space<semaphore_mem>>) src(%arg7 : memref<768xf32, #tpu.memory_space<vmem>>) dst(%dma_wait3A_194 : memref<768xf32, #tpu.memory_space<hbm>>)
            tpu.yield
          }) : () -> ()
        } else {
        }
        %slice3A_91 = vector.extract_strided_slice %get3A_67 {offsets = [3], sizes = [1], strides = [1]} : vector<16xi32> to vector<1xi32>
        %squeeze3A_92 = vector.extract %slice3A_91[0] : i32 from vector<1xi32>
        %eq3A_93 = arith.constant 42 : i32
        %eq3A_94 = arith.cmpi eq, %squeeze3A_92, %eq3A_93 : i32
        %convert_element_type3A_95 = arith.extui %eq3A_94 : i1 to i32
        %cond3A_96 = arith.constant 0 : i32
        %cond3A_97 = arith.cmpi ne, %convert_element_type3A_95, %cond3A_96 : i32
        scf.if %cond3A_97 {
          %add3A_182 = arith.constant 3 : i32
          %add3A_183 = arith.addi %add3A_70, %add3A_182 : i32
          "tpu.region"() ({
            %run_scoped3A_184 = tpu.sem_alloc : memref<!tpu.dma_semaphore, #tpu.memory_space<semaphore_mem>>
            %dma_start3A = arith.constant 0 : i32
            %dma_start3A_185 = tpu.memref_slice %arg4[%add3A_183, %dma_start3A] : memref<78848x768xf32, #tpu.memory_space<hbm>> -> memref<1x768xf32, #tpu.memory_space<hbm>>
            %dma_start3A_186 = tpu.memref_squeeze %dma_start3A_185 : memref<1x768xf32, #tpu.memory_space<hbm>> -> memref<768xf32, #tpu.memory_space<hbm>>
            %dma_start3A_187 = arith.constant 0 : i32
            %dma_start3A_188 = tpu.memref_slice %arg4[%add3A_183, %dma_start3A_187] : memref<78848x768xf32, #tpu.memory_space<hbm>> -> memref<1x768xf32, #tpu.memory_space<hbm>>
            %dma_start3A_189 = tpu.memref_squeeze %dma_start3A_188 : memref<1x768xf32, #tpu.memory_space<hbm>> -> memref<768xf32, #tpu.memory_space<hbm>>
            tpu.enqueue_dma source(%arg7 : memref<768xf32, #tpu.memory_space<vmem>>) target(%dma_start3A_189 : memref<768xf32, #tpu.memory_space<hbm>>) target_semaphore(%run_scoped3A_184 : memref<!tpu.dma_semaphore, #tpu.memory_space<semaphore_mem>>)
            %dma_wait3A = arith.constant 0 : i32
            %dma_wait3A_190 = tpu.memref_slice %arg4[%add3A_183, %dma_wait3A] : memref<78848x768xf32, #tpu.memory_space<hbm>> -> memref<1x768xf32, #tpu.memory_space<hbm>>
            %dma_wait3A_191 = tpu.memref_squeeze %dma_wait3A_190 : memref<1x768xf32, #tpu.memory_space<hbm>> -> memref<768xf32, #tpu.memory_space<hbm>>
            %dma_wait3A_192 = arith.constant 0 : i32
            %dma_wait3A_193 = tpu.memref_slice %arg4[%add3A_183, %dma_wait3A_192] : memref<78848x768xf32, #tpu.memory_space<hbm>> -> memref<1x768xf32, #tpu.memory_space<hbm>>
            %dma_wait3A_194 = tpu.memref_squeeze %dma_wait3A_193 : memref<1x768xf32, #tpu.memory_space<hbm>> -> memref<768xf32, #tpu.memory_space<hbm>>
            tpu.wait_dma2 semaphore(%run_scoped3A_184 : memref<!tpu.dma_semaphore, #tpu.memory_space<semaphore_mem>>) src(%arg7 : memref<768xf32, #tpu.memory_space<vmem>>) dst(%dma_wait3A_194 : memref<768xf32, #tpu.memory_space<hbm>>)
            tpu.yield
          }) : () -> ()
        } else {
        }
        %slice3A_98 = vector.extract_strided_slice %get3A_67 {offsets = [4], sizes = [1], strides = [1]} : vector<16xi32> to vector<1xi32>
        %squeeze3A_99 = vector.extract %slice3A_98[0] : i32 from vector<1xi32>
        %eq3A_100 = arith.constant 42 : i32
        %eq3A_101 = arith.cmpi eq, %squeeze3A_99, %eq3A_100 : i32
        %convert_element_type3A_102 = arith.extui %eq3A_101 : i1 to i32
        %cond3A_103 = arith.constant 0 : i32
        %cond3A_104 = arith.cmpi ne, %convert_element_type3A_102, %cond3A_103 : i32
        scf.if %cond3A_104 {
          %add3A_182 = arith.constant 4 : i32
          %add3A_183 = arith.addi %add3A_70, %add3A_182 : i32
          "tpu.region"() ({
            %run_scoped3A_184 = tpu.sem_alloc : memref<!tpu.dma_semaphore, #tpu.memory_space<semaphore_mem>>
            %dma_start3A = arith.constant 0 : i32
            %dma_start3A_185 = tpu.memref_slice %arg4[%add3A_183, %dma_start3A] : memref<78848x768xf32, #tpu.memory_space<hbm>> -> memref<1x768xf32, #tpu.memory_space<hbm>>
            %dma_start3A_186 = tpu.memref_squeeze %dma_start3A_185 : memref<1x768xf32, #tpu.memory_space<hbm>> -> memref<768xf32, #tpu.memory_space<hbm>>
            %dma_start3A_187 = arith.constant 0 : i32
            %dma_start3A_188 = tpu.memref_slice %arg4[%add3A_183, %dma_start3A_187] : memref<78848x768xf32, #tpu.memory_space<hbm>> -> memref<1x768xf32, #tpu.memory_space<hbm>>
            %dma_start3A_189 = tpu.memref_squeeze %dma_start3A_188 : memref<1x768xf32, #tpu.memory_space<hbm>> -> memref<768xf32, #tpu.memory_space<hbm>>
            tpu.enqueue_dma source(%arg7 : memref<768xf32, #tpu.memory_space<vmem>>) target(%dma_start3A_189 : memref<768xf32, #tpu.memory_space<hbm>>) target_semaphore(%run_scoped3A_184 : memref<!tpu.dma_semaphore, #tpu.memory_space<semaphore_mem>>)
            %dma_wait3A = arith.constant 0 : i32
            %dma_wait3A_190 = tpu.memref_slice %arg4[%add3A_183, %dma_wait3A] : memref<78848x768xf32, #tpu.memory_space<hbm>> -> memref<1x768xf32, #tpu.memory_space<hbm>>
            %dma_wait3A_191 = tpu.memref_squeeze %dma_wait3A_190 : memref<1x768xf32, #tpu.memory_space<hbm>> -> memref<768xf32, #tpu.memory_space<hbm>>
            %dma_wait3A_192 = arith.constant 0 : i32
            %dma_wait3A_193 = tpu.memref_slice %arg4[%add3A_183, %dma_wait3A_192] : memref<78848x768xf32, #tpu.memory_space<hbm>> -> memref<1x768xf32, #tpu.memory_space<hbm>>
            %dma_wait3A_194 = tpu.memref_squeeze %dma_wait3A_193 : memref<1x768xf32, #tpu.memory_space<hbm>> -> memref<768xf32, #tpu.memory_space<hbm>>
            tpu.wait_dma2 semaphore(%run_scoped3A_184 : memref<!tpu.dma_semaphore, #tpu.memory_space<semaphore_mem>>) src(%arg7 : memref<768xf32, #tpu.memory_space<vmem>>) dst(%dma_wait3A_194 : memref<768xf32, #tpu.memory_space<hbm>>)
            tpu.yield
          }) : () -> ()
        } else {
        }
        %slice3A_105 = vector.extract_strided_slice %get3A_67 {offsets = [5], sizes = [1], strides = [1]} : vector<16xi32> to vector<1xi32>
        %squeeze3A_106 = vector.extract %slice3A_105[0] : i32 from vector<1xi32>
        %eq3A_107 = arith.constant 42 : i32
        %eq3A_108 = arith.cmpi eq, %squeeze3A_106, %eq3A_107 : i32
        %convert_element_type3A_109 = arith.extui %eq3A_108 : i1 to i32
        %cond3A_110 = arith.constant 0 : i32
        %cond3A_111 = arith.cmpi ne, %convert_element_type3A_109, %cond3A_110 : i32
        scf.if %cond3A_111 {
          %add3A_182 = arith.constant 5 : i32
          %add3A_183 = arith.addi %add3A_70, %add3A_182 : i32
          "tpu.region"() ({
            %run_scoped3A_184 = tpu.sem_alloc : memref<!tpu.dma_semaphore, #tpu.memory_space<semaphore_mem>>
            %dma_start3A = arith.constant 0 : i32
            %dma_start3A_185 = tpu.memref_slice %arg4[%add3A_183, %dma_start3A] : memref<78848x768xf32, #tpu.memory_space<hbm>> -> memref<1x768xf32, #tpu.memory_space<hbm>>
            %dma_start3A_186 = tpu.memref_squeeze %dma_start3A_185 : memref<1x768xf32, #tpu.memory_space<hbm>> -> memref<768xf32, #tpu.memory_space<hbm>>
            %dma_start3A_187 = arith.constant 0 : i32
            %dma_start3A_188 = tpu.memref_slice %arg4[%add3A_183, %dma_start3A_187] : memref<78848x768xf32, #tpu.memory_space<hbm>> -> memref<1x768xf32, #tpu.memory_space<hbm>>
            %dma_start3A_189 = tpu.memref_squeeze %dma_start3A_188 : memref<1x768xf32, #tpu.memory_space<hbm>> -> memref<768xf32, #tpu.memory_space<hbm>>
            tpu.enqueue_dma source(%arg7 : memref<768xf32, #tpu.memory_space<vmem>>) target(%dma_start3A_189 : memref<768xf32, #tpu.memory_space<hbm>>) target_semaphore(%run_scoped3A_184 : memref<!tpu.dma_semaphore, #tpu.memory_space<semaphore_mem>>)
            %dma_wait3A = arith.constant 0 : i32
            %dma_wait3A_190 = tpu.memref_slice %arg4[%add3A_183, %dma_wait3A] : memref<78848x768xf32, #tpu.memory_space<hbm>> -> memref<1x768xf32, #tpu.memory_space<hbm>>
            %dma_wait3A_191 = tpu.memref_squeeze %dma_wait3A_190 : memref<1x768xf32, #tpu.memory_space<hbm>> -> memref<768xf32, #tpu.memory_space<hbm>>
            %dma_wait3A_192 = arith.constant 0 : i32
            %dma_wait3A_193 = tpu.memref_slice %arg4[%add3A_183, %dma_wait3A_192] : memref<78848x768xf32, #tpu.memory_space<hbm>> -> memref<1x768xf32, #tpu.memory_space<hbm>>
            %dma_wait3A_194 = tpu.memref_squeeze %dma_wait3A_193 : memref<1x768xf32, #tpu.memory_space<hbm>> -> memref<768xf32, #tpu.memory_space<hbm>>
            tpu.wait_dma2 semaphore(%run_scoped3A_184 : memref<!tpu.dma_semaphore, #tpu.memory_space<semaphore_mem>>) src(%arg7 : memref<768xf32, #tpu.memory_space<vmem>>) dst(%dma_wait3A_194 : memref<768xf32, #tpu.memory_space<hbm>>)
            tpu.yield
          }) : () -> ()
        } else {
        }
        %slice3A_112 = vector.extract_strided_slice %get3A_67 {offsets = [6], sizes = [1], strides = [1]} : vector<16xi32> to vector<1xi32>
        %squeeze3A_113 = vector.extract %slice3A_112[0] : i32 from vector<1xi32>
        %eq3A_114 = arith.constant 42 : i32
        %eq3A_115 = arith.cmpi eq, %squeeze3A_113, %eq3A_114 : i32
        %convert_element_type3A_116 = arith.extui %eq3A_115 : i1 to i32
        %cond3A_117 = arith.constant 0 : i32
        %cond3A_118 = arith.cmpi ne, %convert_element_type3A_116, %cond3A_117 : i32
        scf.if %cond3A_118 {
          %add3A_182 = arith.constant 6 : i32
          %add3A_183 = arith.addi %add3A_70, %add3A_182 : i32
          "tpu.region"() ({
            %run_scoped3A_184 = tpu.sem_alloc : memref<!tpu.dma_semaphore, #tpu.memory_space<semaphore_mem>>
            %dma_start3A = arith.constant 0 : i32
            %dma_start3A_185 = tpu.memref_slice %arg4[%add3A_183, %dma_start3A] : memref<78848x768xf32, #tpu.memory_space<hbm>> -> memref<1x768xf32, #tpu.memory_space<hbm>>
            %dma_start3A_186 = tpu.memref_squeeze %dma_start3A_185 : memref<1x768xf32, #tpu.memory_space<hbm>> -> memref<768xf32, #tpu.memory_space<hbm>>
            %dma_start3A_187 = arith.constant 0 : i32
            %dma_start3A_188 = tpu.memref_slice %arg4[%add3A_183, %dma_start3A_187] : memref<78848x768xf32, #tpu.memory_space<hbm>> -> memref<1x768xf32, #tpu.memory_space<hbm>>
            %dma_start3A_189 = tpu.memref_squeeze %dma_start3A_188 : memref<1x768xf32, #tpu.memory_space<hbm>> -> memref<768xf32, #tpu.memory_space<hbm>>
            tpu.enqueue_dma source(%arg7 : memref<768xf32, #tpu.memory_space<vmem>>) target(%dma_start3A_189 : memref<768xf32, #tpu.memory_space<hbm>>) target_semaphore(%run_scoped3A_184 : memref<!tpu.dma_semaphore, #tpu.memory_space<semaphore_mem>>)
            %dma_wait3A = arith.constant 0 : i32
            %dma_wait3A_190 = tpu.memref_slice %arg4[%add3A_183, %dma_wait3A] : memref<78848x768xf32, #tpu.memory_space<hbm>> -> memref<1x768xf32, #tpu.memory_space<hbm>>
            %dma_wait3A_191 = tpu.memref_squeeze %dma_wait3A_190 : memref<1x768xf32, #tpu.memory_space<hbm>> -> memref<768xf32, #tpu.memory_space<hbm>>
            %dma_wait3A_192 = arith.constant 0 : i32
            %dma_wait3A_193 = tpu.memref_slice %arg4[%add3A_183, %dma_wait3A_192] : memref<78848x768xf32, #tpu.memory_space<hbm>> -> memref<1x768xf32, #tpu.memory_space<hbm>>
            %dma_wait3A_194 = tpu.memref_squeeze %dma_wait3A_193 : memref<1x768xf32, #tpu.memory_space<hbm>> -> memref<768xf32, #tpu.memory_space<hbm>>
            tpu.wait_dma2 semaphore(%run_scoped3A_184 : memref<!tpu.dma_semaphore, #tpu.memory_space<semaphore_mem>>) src(%arg7 : memref<768xf32, #tpu.memory_space<vmem>>) dst(%dma_wait3A_194 : memref<768xf32, #tpu.memory_space<hbm>>)
            tpu.yield
          }) : () -> ()
        } else {
        }
        %slice3A_119 = vector.extract_strided_slice %get3A_67 {offsets = [7], sizes = [1], strides = [1]} : vector<16xi32> to vector<1xi32>
        %squeeze3A_120 = vector.extract %slice3A_119[0] : i32 from vector<1xi32>
        %eq3A_121 = arith.constant 42 : i32
        %eq3A_122 = arith.cmpi eq, %squeeze3A_120, %eq3A_121 : i32
        %convert_element_type3A_123 = arith.extui %eq3A_122 : i1 to i32
        %cond3A_124 = arith.constant 0 : i32
        %cond3A_125 = arith.cmpi ne, %convert_element_type3A_123, %cond3A_124 : i32
        scf.if %cond3A_125 {
          %add3A_182 = arith.constant 7 : i32
          %add3A_183 = arith.addi %add3A_70, %add3A_182 : i32
          "tpu.region"() ({
            %run_scoped3A_184 = tpu.sem_alloc : memref<!tpu.dma_semaphore, #tpu.memory_space<semaphore_mem>>
            %dma_start3A = arith.constant 0 : i32
            %dma_start3A_185 = tpu.memref_slice %arg4[%add3A_183, %dma_start3A] : memref<78848x768xf32, #tpu.memory_space<hbm>> -> memref<1x768xf32, #tpu.memory_space<hbm>>
            %dma_start3A_186 = tpu.memref_squeeze %dma_start3A_185 : memref<1x768xf32, #tpu.memory_space<hbm>> -> memref<768xf32, #tpu.memory_space<hbm>>
            %dma_start3A_187 = arith.constant 0 : i32
            %dma_start3A_188 = tpu.memref_slice %arg4[%add3A_183, %dma_start3A_187] : memref<78848x768xf32, #tpu.memory_space<hbm>> -> memref<1x768xf32, #tpu.memory_space<hbm>>
            %dma_start3A_189 = tpu.memref_squeeze %dma_start3A_188 : memref<1x768xf32, #tpu.memory_space<hbm>> -> memref<768xf32, #tpu.memory_space<hbm>>
            tpu.enqueue_dma source(%arg7 : memref<768xf32, #tpu.memory_space<vmem>>) target(%dma_start3A_189 : memref<768xf32, #tpu.memory_space<hbm>>) target_semaphore(%run_scoped3A_184 : memref<!tpu.dma_semaphore, #tpu.memory_space<semaphore_mem>>)
            %dma_wait3A = arith.constant 0 : i32
            %dma_wait3A_190 = tpu.memref_slice %arg4[%add3A_183, %dma_wait3A] : memref<78848x768xf32, #tpu.memory_space<hbm>> -> memref<1x768xf32, #tpu.memory_space<hbm>>
            %dma_wait3A_191 = tpu.memref_squeeze %dma_wait3A_190 : memref<1x768xf32, #tpu.memory_space<hbm>> -> memref<768xf32, #tpu.memory_space<hbm>>
            %dma_wait3A_192 = arith.constant 0 : i32
            %dma_wait3A_193 = tpu.memref_slice %arg4[%add3A_183, %dma_wait3A_192] : memref<78848x768xf32, #tpu.memory_space<hbm>> -> memref<1x768xf32, #tpu.memory_space<hbm>>
            %dma_wait3A_194 = tpu.memref_squeeze %dma_wait3A_193 : memref<1x768xf32, #tpu.memory_space<hbm>> -> memref<768xf32, #tpu.memory_space<hbm>>
            tpu.wait_dma2 semaphore(%run_scoped3A_184 : memref<!tpu.dma_semaphore, #tpu.memory_space<semaphore_mem>>) src(%arg7 : memref<768xf32, #tpu.memory_space<vmem>>) dst(%dma_wait3A_194 : memref<768xf32, #tpu.memory_space<hbm>>)
            tpu.yield
          }) : () -> ()
        } else {
        }
        %slice3A_126 = vector.extract_strided_slice %get3A_67 {offsets = [8], sizes = [1], strides = [1]} : vector<16xi32> to vector<1xi32>
        %squeeze3A_127 = vector.extract %slice3A_126[0] : i32 from vector<1xi32>
        %eq3A_128 = arith.constant 42 : i32
        %eq3A_129 = arith.cmpi eq, %squeeze3A_127, %eq3A_128 : i32
        %convert_element_type3A_130 = arith.extui %eq3A_129 : i1 to i32
        %cond3A_131 = arith.constant 0 : i32
        %cond3A_132 = arith.cmpi ne, %convert_element_type3A_130, %cond3A_131 : i32
        scf.if %cond3A_132 {
          %add3A_182 = arith.constant 8 : i32
          %add3A_183 = arith.addi %add3A_70, %add3A_182 : i32
          "tpu.region"() ({
            %run_scoped3A_184 = tpu.sem_alloc : memref<!tpu.dma_semaphore, #tpu.memory_space<semaphore_mem>>
            %dma_start3A = arith.constant 0 : i32
            %dma_start3A_185 = tpu.memref_slice %arg4[%add3A_183, %dma_start3A] : memref<78848x768xf32, #tpu.memory_space<hbm>> -> memref<1x768xf32, #tpu.memory_space<hbm>>
            %dma_start3A_186 = tpu.memref_squeeze %dma_start3A_185 : memref<1x768xf32, #tpu.memory_space<hbm>> -> memref<768xf32, #tpu.memory_space<hbm>>
            %dma_start3A_187 = arith.constant 0 : i32
            %dma_start3A_188 = tpu.memref_slice %arg4[%add3A_183, %dma_start3A_187] : memref<78848x768xf32, #tpu.memory_space<hbm>> -> memref<1x768xf32, #tpu.memory_space<hbm>>
            %dma_start3A_189 = tpu.memref_squeeze %dma_start3A_188 : memref<1x768xf32, #tpu.memory_space<hbm>> -> memref<768xf32, #tpu.memory_space<hbm>>
            tpu.enqueue_dma source(%arg7 : memref<768xf32, #tpu.memory_space<vmem>>) target(%dma_start3A_189 : memref<768xf32, #tpu.memory_space<hbm>>) target_semaphore(%run_scoped3A_184 : memref<!tpu.dma_semaphore, #tpu.memory_space<semaphore_mem>>)
            %dma_wait3A = arith.constant 0 : i32
            %dma_wait3A_190 = tpu.memref_slice %arg4[%add3A_183, %dma_wait3A] : memref<78848x768xf32, #tpu.memory_space<hbm>> -> memref<1x768xf32, #tpu.memory_space<hbm>>
            %dma_wait3A_191 = tpu.memref_squeeze %dma_wait3A_190 : memref<1x768xf32, #tpu.memory_space<hbm>> -> memref<768xf32, #tpu.memory_space<hbm>>
            %dma_wait3A_192 = arith.constant 0 : i32
            %dma_wait3A_193 = tpu.memref_slice %arg4[%add3A_183, %dma_wait3A_192] : memref<78848x768xf32, #tpu.memory_space<hbm>> -> memref<1x768xf32, #tpu.memory_space<hbm>>
            %dma_wait3A_194 = tpu.memref_squeeze %dma_wait3A_193 : memref<1x768xf32, #tpu.memory_space<hbm>> -> memref<768xf32, #tpu.memory_space<hbm>>
            tpu.wait_dma2 semaphore(%run_scoped3A_184 : memref<!tpu.dma_semaphore, #tpu.memory_space<semaphore_mem>>) src(%arg7 : memref<768xf32, #tpu.memory_space<vmem>>) dst(%dma_wait3A_194 : memref<768xf32, #tpu.memory_space<hbm>>)
            tpu.yield
          }) : () -> ()
        } else {
        }
        %slice3A_133 = vector.extract_strided_slice %get3A_67 {offsets = [9], sizes = [1], strides = [1]} : vector<16xi32> to vector<1xi32>
        %squeeze3A_134 = vector.extract %slice3A_133[0] : i32 from vector<1xi32>
        %eq3A_135 = arith.constant 42 : i32
        %eq3A_136 = arith.cmpi eq, %squeeze3A_134, %eq3A_135 : i32
        %convert_element_type3A_137 = arith.extui %eq3A_136 : i1 to i32
        %cond3A_138 = arith.constant 0 : i32
        %cond3A_139 = arith.cmpi ne, %convert_element_type3A_137, %cond3A_138 : i32
        scf.if %cond3A_139 {
          %add3A_182 = arith.constant 9 : i32
          %add3A_183 = arith.addi %add3A_70, %add3A_182 : i32
          "tpu.region"() ({
            %run_scoped3A_184 = tpu.sem_alloc : memref<!tpu.dma_semaphore, #tpu.memory_space<semaphore_mem>>
            %dma_start3A = arith.constant 0 : i32
            %dma_start3A_185 = tpu.memref_slice %arg4[%add3A_183, %dma_start3A] : memref<78848x768xf32, #tpu.memory_space<hbm>> -> memref<1x768xf32, #tpu.memory_space<hbm>>
            %dma_start3A_186 = tpu.memref_squeeze %dma_start3A_185 : memref<1x768xf32, #tpu.memory_space<hbm>> -> memref<768xf32, #tpu.memory_space<hbm>>
            %dma_start3A_187 = arith.constant 0 : i32
            %dma_start3A_188 = tpu.memref_slice %arg4[%add3A_183, %dma_start3A_187] : memref<78848x768xf32, #tpu.memory_space<hbm>> -> memref<1x768xf32, #tpu.memory_space<hbm>>
            %dma_start3A_189 = tpu.memref_squeeze %dma_start3A_188 : memref<1x768xf32, #tpu.memory_space<hbm>> -> memref<768xf32, #tpu.memory_space<hbm>>
            tpu.enqueue_dma source(%arg7 : memref<768xf32, #tpu.memory_space<vmem>>) target(%dma_start3A_189 : memref<768xf32, #tpu.memory_space<hbm>>) target_semaphore(%run_scoped3A_184 : memref<!tpu.dma_semaphore, #tpu.memory_space<semaphore_mem>>)
            %dma_wait3A = arith.constant 0 : i32
            %dma_wait3A_190 = tpu.memref_slice %arg4[%add3A_183, %dma_wait3A] : memref<78848x768xf32, #tpu.memory_space<hbm>> -> memref<1x768xf32, #tpu.memory_space<hbm>>
            %dma_wait3A_191 = tpu.memref_squeeze %dma_wait3A_190 : memref<1x768xf32, #tpu.memory_space<hbm>> -> memref<768xf32, #tpu.memory_space<hbm>>
            %dma_wait3A_192 = arith.constant 0 : i32
            %dma_wait3A_193 = tpu.memref_slice %arg4[%add3A_183, %dma_wait3A_192] : memref<78848x768xf32, #tpu.memory_space<hbm>> -> memref<1x768xf32, #tpu.memory_space<hbm>>
            %dma_wait3A_194 = tpu.memref_squeeze %dma_wait3A_193 : memref<1x768xf32, #tpu.memory_space<hbm>> -> memref<768xf32, #tpu.memory_space<hbm>>
            tpu.wait_dma2 semaphore(%run_scoped3A_184 : memref<!tpu.dma_semaphore, #tpu.memory_space<semaphore_mem>>) src(%arg7 : memref<768xf32, #tpu.memory_space<vmem>>) dst(%dma_wait3A_194 : memref<768xf32, #tpu.memory_space<hbm>>)
            tpu.yield
          }) : () -> ()
        } else {
        }
        %slice3A_140 = vector.extract_strided_slice %get3A_67 {offsets = [10], sizes = [1], strides = [1]} : vector<16xi32> to vector<1xi32>
        %squeeze3A_141 = vector.extract %slice3A_140[0] : i32 from vector<1xi32>
        %eq3A_142 = arith.constant 42 : i32
        %eq3A_143 = arith.cmpi eq, %squeeze3A_141, %eq3A_142 : i32
        %convert_element_type3A_144 = arith.extui %eq3A_143 : i1 to i32
        %cond3A_145 = arith.constant 0 : i32
        %cond3A_146 = arith.cmpi ne, %convert_element_type3A_144, %cond3A_145 : i32
        scf.if %cond3A_146 {
          %add3A_182 = arith.constant 10 : i32
          %add3A_183 = arith.addi %add3A_70, %add3A_182 : i32
          "tpu.region"() ({
            %run_scoped3A_184 = tpu.sem_alloc : memref<!tpu.dma_semaphore, #tpu.memory_space<semaphore_mem>>
            %dma_start3A = arith.constant 0 : i32
            %dma_start3A_185 = tpu.memref_slice %arg4[%add3A_183, %dma_start3A] : memref<78848x768xf32, #tpu.memory_space<hbm>> -> memref<1x768xf32, #tpu.memory_space<hbm>>
            %dma_start3A_186 = tpu.memref_squeeze %dma_start3A_185 : memref<1x768xf32, #tpu.memory_space<hbm>> -> memref<768xf32, #tpu.memory_space<hbm>>
            %dma_start3A_187 = arith.constant 0 : i32
            %dma_start3A_188 = tpu.memref_slice %arg4[%add3A_183, %dma_start3A_187] : memref<78848x768xf32, #tpu.memory_space<hbm>> -> memref<1x768xf32, #tpu.memory_space<hbm>>
            %dma_start3A_189 = tpu.memref_squeeze %dma_start3A_188 : memref<1x768xf32, #tpu.memory_space<hbm>> -> memref<768xf32, #tpu.memory_space<hbm>>
            tpu.enqueue_dma source(%arg7 : memref<768xf32, #tpu.memory_space<vmem>>) target(%dma_start3A_189 : memref<768xf32, #tpu.memory_space<hbm>>) target_semaphore(%run_scoped3A_184 : memref<!tpu.dma_semaphore, #tpu.memory_space<semaphore_mem>>)
            %dma_wait3A = arith.constant 0 : i32
            %dma_wait3A_190 = tpu.memref_slice %arg4[%add3A_183, %dma_wait3A] : memref<78848x768xf32, #tpu.memory_space<hbm>> -> memref<1x768xf32, #tpu.memory_space<hbm>>
            %dma_wait3A_191 = tpu.memref_squeeze %dma_wait3A_190 : memref<1x768xf32, #tpu.memory_space<hbm>> -> memref<768xf32, #tpu.memory_space<hbm>>
            %dma_wait3A_192 = arith.constant 0 : i32
            %dma_wait3A_193 = tpu.memref_slice %arg4[%add3A_183, %dma_wait3A_192] : memref<78848x768xf32, #tpu.memory_space<hbm>> -> memref<1x768xf32, #tpu.memory_space<hbm>>
            %dma_wait3A_194 = tpu.memref_squeeze %dma_wait3A_193 : memref<1x768xf32, #tpu.memory_space<hbm>> -> memref<768xf32, #tpu.memory_space<hbm>>
            tpu.wait_dma2 semaphore(%run_scoped3A_184 : memref<!tpu.dma_semaphore, #tpu.memory_space<semaphore_mem>>) src(%arg7 : memref<768xf32, #tpu.memory_space<vmem>>) dst(%dma_wait3A_194 : memref<768xf32, #tpu.memory_space<hbm>>)
            tpu.yield
          }) : () -> ()
        } else {
        }
        %slice3A_147 = vector.extract_strided_slice %get3A_67 {offsets = [11], sizes = [1], strides = [1]} : vector<16xi32> to vector<1xi32>
        %squeeze3A_148 = vector.extract %slice3A_147[0] : i32 from vector<1xi32>
        %eq3A_149 = arith.constant 42 : i32
        %eq3A_150 = arith.cmpi eq, %squeeze3A_148, %eq3A_149 : i32
        %convert_element_type3A_151 = arith.extui %eq3A_150 : i1 to i32
        %cond3A_152 = arith.constant 0 : i32
        %cond3A_153 = arith.cmpi ne, %convert_element_type3A_151, %cond3A_152 : i32
        scf.if %cond3A_153 {
          %add3A_182 = arith.constant 11 : i32
          %add3A_183 = arith.addi %add3A_70, %add3A_182 : i32
          "tpu.region"() ({
            %run_scoped3A_184 = tpu.sem_alloc : memref<!tpu.dma_semaphore, #tpu.memory_space<semaphore_mem>>
            %dma_start3A = arith.constant 0 : i32
            %dma_start3A_185 = tpu.memref_slice %arg4[%add3A_183, %dma_start3A] : memref<78848x768xf32, #tpu.memory_space<hbm>> -> memref<1x768xf32, #tpu.memory_space<hbm>>
            %dma_start3A_186 = tpu.memref_squeeze %dma_start3A_185 : memref<1x768xf32, #tpu.memory_space<hbm>> -> memref<768xf32, #tpu.memory_space<hbm>>
            %dma_start3A_187 = arith.constant 0 : i32
            %dma_start3A_188 = tpu.memref_slice %arg4[%add3A_183, %dma_start3A_187] : memref<78848x768xf32, #tpu.memory_space<hbm>> -> memref<1x768xf32, #tpu.memory_space<hbm>>
            %dma_start3A_189 = tpu.memref_squeeze %dma_start3A_188 : memref<1x768xf32, #tpu.memory_space<hbm>> -> memref<768xf32, #tpu.memory_space<hbm>>
            tpu.enqueue_dma source(%arg7 : memref<768xf32, #tpu.memory_space<vmem>>) target(%dma_start3A_189 : memref<768xf32, #tpu.memory_space<hbm>>) target_semaphore(%run_scoped3A_184 : memref<!tpu.dma_semaphore, #tpu.memory_space<semaphore_mem>>)
            %dma_wait3A = arith.constant 0 : i32
            %dma_wait3A_190 = tpu.memref_slice %arg4[%add3A_183, %dma_wait3A] : memref<78848x768xf32, #tpu.memory_space<hbm>> -> memref<1x768xf32, #tpu.memory_space<hbm>>
            %dma_wait3A_191 = tpu.memref_squeeze %dma_wait3A_190 : memref<1x768xf32, #tpu.memory_space<hbm>> -> memref<768xf32, #tpu.memory_space<hbm>>
            %dma_wait3A_192 = arith.constant 0 : i32
            %dma_wait3A_193 = tpu.memref_slice %arg4[%add3A_183, %dma_wait3A_192] : memref<78848x768xf32, #tpu.memory_space<hbm>> -> memref<1x768xf32, #tpu.memory_space<hbm>>
            %dma_wait3A_194 = tpu.memref_squeeze %dma_wait3A_193 : memref<1x768xf32, #tpu.memory_space<hbm>> -> memref<768xf32, #tpu.memory_space<hbm>>
            tpu.wait_dma2 semaphore(%run_scoped3A_184 : memref<!tpu.dma_semaphore, #tpu.memory_space<semaphore_mem>>) src(%arg7 : memref<768xf32, #tpu.memory_space<vmem>>) dst(%dma_wait3A_194 : memref<768xf32, #tpu.memory_space<hbm>>)
            tpu.yield
          }) : () -> ()
        } else {
        }
        %slice3A_154 = vector.extract_strided_slice %get3A_67 {offsets = [12], sizes = [1], strides = [1]} : vector<16xi32> to vector<1xi32>
        %squeeze3A_155 = vector.extract %slice3A_154[0] : i32 from vector<1xi32>
        %eq3A_156 = arith.constant 42 : i32
        %eq3A_157 = arith.cmpi eq, %squeeze3A_155, %eq3A_156 : i32
        %convert_element_type3A_158 = arith.extui %eq3A_157 : i1 to i32
        %cond3A_159 = arith.constant 0 : i32
        %cond3A_160 = arith.cmpi ne, %convert_element_type3A_158, %cond3A_159 : i32
        scf.if %cond3A_160 {
          %add3A_182 = arith.constant 12 : i32
          %add3A_183 = arith.addi %add3A_70, %add3A_182 : i32
          "tpu.region"() ({
            %run_scoped3A_184 = tpu.sem_alloc : memref<!tpu.dma_semaphore, #tpu.memory_space<semaphore_mem>>
            %dma_start3A = arith.constant 0 : i32
            %dma_start3A_185 = tpu.memref_slice %arg4[%add3A_183, %dma_start3A] : memref<78848x768xf32, #tpu.memory_space<hbm>> -> memref<1x768xf32, #tpu.memory_space<hbm>>
            %dma_start3A_186 = tpu.memref_squeeze %dma_start3A_185 : memref<1x768xf32, #tpu.memory_space<hbm>> -> memref<768xf32, #tpu.memory_space<hbm>>
            %dma_start3A_187 = arith.constant 0 : i32
            %dma_start3A_188 = tpu.memref_slice %arg4[%add3A_183, %dma_start3A_187] : memref<78848x768xf32, #tpu.memory_space<hbm>> -> memref<1x768xf32, #tpu.memory_space<hbm>>
            %dma_start3A_189 = tpu.memref_squeeze %dma_start3A_188 : memref<1x768xf32, #tpu.memory_space<hbm>> -> memref<768xf32, #tpu.memory_space<hbm>>
            tpu.enqueue_dma source(%arg7 : memref<768xf32, #tpu.memory_space<vmem>>) target(%dma_start3A_189 : memref<768xf32, #tpu.memory_space<hbm>>) target_semaphore(%run_scoped3A_184 : memref<!tpu.dma_semaphore, #tpu.memory_space<semaphore_mem>>)
            %dma_wait3A = arith.constant 0 : i32
            %dma_wait3A_190 = tpu.memref_slice %arg4[%add3A_183, %dma_wait3A] : memref<78848x768xf32, #tpu.memory_space<hbm>> -> memref<1x768xf32, #tpu.memory_space<hbm>>
            %dma_wait3A_191 = tpu.memref_squeeze %dma_wait3A_190 : memref<1x768xf32, #tpu.memory_space<hbm>> -> memref<768xf32, #tpu.memory_space<hbm>>
            %dma_wait3A_192 = arith.constant 0 : i32
            %dma_wait3A_193 = tpu.memref_slice %arg4[%add3A_183, %dma_wait3A_192] : memref<78848x768xf32, #tpu.memory_space<hbm>> -> memref<1x768xf32, #tpu.memory_space<hbm>>
            %dma_wait3A_194 = tpu.memref_squeeze %dma_wait3A_193 : memref<1x768xf32, #tpu.memory_space<hbm>> -> memref<768xf32, #tpu.memory_space<hbm>>
            tpu.wait_dma2 semaphore(%run_scoped3A_184 : memref<!tpu.dma_semaphore, #tpu.memory_space<semaphore_mem>>) src(%arg7 : memref<768xf32, #tpu.memory_space<vmem>>) dst(%dma_wait3A_194 : memref<768xf32, #tpu.memory_space<hbm>>)
            tpu.yield
          }) : () -> ()
        } else {
        }
        %slice3A_161 = vector.extract_strided_slice %get3A_67 {offsets = [13], sizes = [1], strides = [1]} : vector<16xi32> to vector<1xi32>
        %squeeze3A_162 = vector.extract %slice3A_161[0] : i32 from vector<1xi32>
        %eq3A_163 = arith.constant 42 : i32
        %eq3A_164 = arith.cmpi eq, %squeeze3A_162, %eq3A_163 : i32
        %convert_element_type3A_165 = arith.extui %eq3A_164 : i1 to i32
        %cond3A_166 = arith.constant 0 : i32
        %cond3A_167 = arith.cmpi ne, %convert_element_type3A_165, %cond3A_166 : i32
        scf.if %cond3A_167 {
          %add3A_182 = arith.constant 13 : i32
          %add3A_183 = arith.addi %add3A_70, %add3A_182 : i32
          "tpu.region"() ({
            %run_scoped3A_184 = tpu.sem_alloc : memref<!tpu.dma_semaphore, #tpu.memory_space<semaphore_mem>>
            %dma_start3A = arith.constant 0 : i32
            %dma_start3A_185 = tpu.memref_slice %arg4[%add3A_183, %dma_start3A] : memref<78848x768xf32, #tpu.memory_space<hbm>> -> memref<1x768xf32, #tpu.memory_space<hbm>>
            %dma_start3A_186 = tpu.memref_squeeze %dma_start3A_185 : memref<1x768xf32, #tpu.memory_space<hbm>> -> memref<768xf32, #tpu.memory_space<hbm>>
            %dma_start3A_187 = arith.constant 0 : i32
            %dma_start3A_188 = tpu.memref_slice %arg4[%add3A_183, %dma_start3A_187] : memref<78848x768xf32, #tpu.memory_space<hbm>> -> memref<1x768xf32, #tpu.memory_space<hbm>>
            %dma_start3A_189 = tpu.memref_squeeze %dma_start3A_188 : memref<1x768xf32, #tpu.memory_space<hbm>> -> memref<768xf32, #tpu.memory_space<hbm>>
            tpu.enqueue_dma source(%arg7 : memref<768xf32, #tpu.memory_space<vmem>>) target(%dma_start3A_189 : memref<768xf32, #tpu.memory_space<hbm>>) target_semaphore(%run_scoped3A_184 : memref<!tpu.dma_semaphore, #tpu.memory_space<semaphore_mem>>)
            %dma_wait3A = arith.constant 0 : i32
            %dma_wait3A_190 = tpu.memref_slice %arg4[%add3A_183, %dma_wait3A] : memref<78848x768xf32, #tpu.memory_space<hbm>> -> memref<1x768xf32, #tpu.memory_space<hbm>>
            %dma_wait3A_191 = tpu.memref_squeeze %dma_wait3A_190 : memref<1x768xf32, #tpu.memory_space<hbm>> -> memref<768xf32, #tpu.memory_space<hbm>>
            %dma_wait3A_192 = arith.constant 0 : i32
            %dma_wait3A_193 = tpu.memref_slice %arg4[%add3A_183, %dma_wait3A_192] : memref<78848x768xf32, #tpu.memory_space<hbm>> -> memref<1x768xf32, #tpu.memory_space<hbm>>
            %dma_wait3A_194 = tpu.memref_squeeze %dma_wait3A_193 : memref<1x768xf32, #tpu.memory_space<hbm>> -> memref<768xf32, #tpu.memory_space<hbm>>
            tpu.wait_dma2 semaphore(%run_scoped3A_184 : memref<!tpu.dma_semaphore, #tpu.memory_space<semaphore_mem>>) src(%arg7 : memref<768xf32, #tpu.memory_space<vmem>>) dst(%dma_wait3A_194 : memref<768xf32, #tpu.memory_space<hbm>>)
            tpu.yield
          }) : () -> ()
        } else {
        }
        %slice3A_168 = vector.extract_strided_slice %get3A_67 {offsets = [14], sizes = [1], strides = [1]} : vector<16xi32> to vector<1xi32>
        %squeeze3A_169 = vector.extract %slice3A_168[0] : i32 from vector<1xi32>
        %eq3A_170 = arith.constant 42 : i32
        %eq3A_171 = arith.cmpi eq, %squeeze3A_169, %eq3A_170 : i32
        %convert_element_type3A_172 = arith.extui %eq3A_171 : i1 to i32
        %cond3A_173 = arith.constant 0 : i32
        %cond3A_174 = arith.cmpi ne, %convert_element_type3A_172, %cond3A_173 : i32
        scf.if %cond3A_174 {
          %add3A_182 = arith.constant 14 : i32
          %add3A_183 = arith.addi %add3A_70, %add3A_182 : i32
          "tpu.region"() ({
            %run_scoped3A_184 = tpu.sem_alloc : memref<!tpu.dma_semaphore, #tpu.memory_space<semaphore_mem>>
            %dma_start3A = arith.constant 0 : i32
            %dma_start3A_185 = tpu.memref_slice %arg4[%add3A_183, %dma_start3A] : memref<78848x768xf32, #tpu.memory_space<hbm>> -> memref<1x768xf32, #tpu.memory_space<hbm>>
            %dma_start3A_186 = tpu.memref_squeeze %dma_start3A_185 : memref<1x768xf32, #tpu.memory_space<hbm>> -> memref<768xf32, #tpu.memory_space<hbm>>
            %dma_start3A_187 = arith.constant 0 : i32
            %dma_start3A_188 = tpu.memref_slice %arg4[%add3A_183, %dma_start3A_187] : memref<78848x768xf32, #tpu.memory_space<hbm>> -> memref<1x768xf32, #tpu.memory_space<hbm>>
            %dma_start3A_189 = tpu.memref_squeeze %dma_start3A_188 : memref<1x768xf32, #tpu.memory_space<hbm>> -> memref<768xf32, #tpu.memory_space<hbm>>
            tpu.enqueue_dma source(%arg7 : memref<768xf32, #tpu.memory_space<vmem>>) target(%dma_start3A_189 : memref<768xf32, #tpu.memory_space<hbm>>) target_semaphore(%run_scoped3A_184 : memref<!tpu.dma_semaphore, #tpu.memory_space<semaphore_mem>>)
            %dma_wait3A = arith.constant 0 : i32
            %dma_wait3A_190 = tpu.memref_slice %arg4[%add3A_183, %dma_wait3A] : memref<78848x768xf32, #tpu.memory_space<hbm>> -> memref<1x768xf32, #tpu.memory_space<hbm>>
            %dma_wait3A_191 = tpu.memref_squeeze %dma_wait3A_190 : memref<1x768xf32, #tpu.memory_space<hbm>> -> memref<768xf32, #tpu.memory_space<hbm>>
            %dma_wait3A_192 = arith.constant 0 : i32
            %dma_wait3A_193 = tpu.memref_slice %arg4[%add3A_183, %dma_wait3A_192] : memref<78848x768xf32, #tpu.memory_space<hbm>> -> memref<1x768xf32, #tpu.memory_space<hbm>>
            %dma_wait3A_194 = tpu.memref_squeeze %dma_wait3A_193 : memref<1x768xf32, #tpu.memory_space<hbm>> -> memref<768xf32, #tpu.memory_space<hbm>>
            tpu.wait_dma2 semaphore(%run_scoped3A_184 : memref<!tpu.dma_semaphore, #tpu.memory_space<semaphore_mem>>) src(%arg7 : memref<768xf32, #tpu.memory_space<vmem>>) dst(%dma_wait3A_194 : memref<768xf32, #tpu.memory_space<hbm>>)
            tpu.yield
          }) : () -> ()
        } else {
        }
        %slice3A_175 = vector.extract_strided_slice %get3A_67 {offsets = [15], sizes = [1], strides = [1]} : vector<16xi32> to vector<1xi32>
        %squeeze3A_176 = vector.extract %slice3A_175[0] : i32 from vector<1xi32>
        %eq3A_177 = arith.constant 42 : i32
        %eq3A_178 = arith.cmpi eq, %squeeze3A_176, %eq3A_177 : i32
        %convert_element_type3A_179 = arith.extui %eq3A_178 : i1 to i32
        %cond3A_180 = arith.constant 0 : i32
        %cond3A_181 = arith.cmpi ne, %convert_element_type3A_179, %cond3A_180 : i32
        scf.if %cond3A_181 {
          %add3A_182 = arith.constant 15 : i32
          %add3A_183 = arith.addi %add3A_70, %add3A_182 : i32
          "tpu.region"() ({
            %run_scoped3A_184 = tpu.sem_alloc : memref<!tpu.dma_semaphore, #tpu.memory_space<semaphore_mem>>
            %dma_start3A = arith.constant 0 : i32
            %dma_start3A_185 = tpu.memref_slice %arg4[%add3A_183, %dma_start3A] : memref<78848x768xf32, #tpu.memory_space<hbm>> -> memref<1x768xf32, #tpu.memory_space<hbm>>
            %dma_start3A_186 = tpu.memref_squeeze %dma_start3A_185 : memref<1x768xf32, #tpu.memory_space<hbm>> -> memref<768xf32, #tpu.memory_space<hbm>>
            %dma_start3A_187 = arith.constant 0 : i32
            %dma_start3A_188 = tpu.memref_slice %arg4[%add3A_183, %dma_start3A_187] : memref<78848x768xf32, #tpu.memory_space<hbm>> -> memref<1x768xf32, #tpu.memory_space<hbm>>
            %dma_start3A_189 = tpu.memref_squeeze %dma_start3A_188 : memref<1x768xf32, #tpu.memory_space<hbm>> -> memref<768xf32, #tpu.memory_space<hbm>>
            tpu.enqueue_dma source(%arg7 : memref<768xf32, #tpu.memory_space<vmem>>) target(%dma_start3A_189 : memref<768xf32, #tpu.memory_space<hbm>>) target_semaphore(%run_scoped3A_184 : memref<!tpu.dma_semaphore, #tpu.memory_space<semaphore_mem>>)
            %dma_wait3A = arith.constant 0 : i32
            %dma_wait3A_190 = tpu.memref_slice %arg4[%add3A_183, %dma_wait3A] : memref<78848x768xf32, #tpu.memory_space<hbm>> -> memref<1x768xf32, #tpu.memory_space<hbm>>
            %dma_wait3A_191 = tpu.memref_squeeze %dma_wait3A_190 : memref<1x768xf32, #tpu.memory_space<hbm>> -> memref<768xf32, #tpu.memory_space<hbm>>
            %dma_wait3A_192 = arith.constant 0 : i32
            %dma_wait3A_193 = tpu.memref_slice %arg4[%add3A_183, %dma_wait3A_192] : memref<78848x768xf32, #tpu.memory_space<hbm>> -> memref<1x768xf32, #tpu.memory_space<hbm>>
            %dma_wait3A_194 = tpu.memref_squeeze %dma_wait3A_193 : memref<1x768xf32, #tpu.memory_space<hbm>> -> memref<768xf32, #tpu.memory_space<hbm>>
            tpu.wait_dma2 semaphore(%run_scoped3A_184 : memref<!tpu.dma_semaphore, #tpu.memory_space<semaphore_mem>>) src(%arg7 : memref<768xf32, #tpu.memory_space<vmem>>) dst(%dma_wait3A_194 : memref<768xf32, #tpu.memory_space<hbm>>)
            tpu.yield
          }) : () -> ()
        } else {
        }
      }
      %scan3A_62 = arith.constant 154 : i32
    } else {
    }
    return
  }
}

</mosaic_0001>

<sc_bundles>
// kernel: kernel.3.cloned.1.call-start
scs
__scs_entry_jumppad:
0x0: {  	(pc) =	sbr.rel $0x88, $3  }
0x1: {  	(tag) =	ssettag $0x0;
	lr =	simm.s32 $0x1  }
0x2: {  	[smem:$0x3F9E] =	sst lr;
	_ =	strace $0xD0000000  }
0x3: {  	_ = 	snop  }
0x4: {  	_ = 	snop  }
0x5: {  	_ = 	snop  }
0x6: {  	_ = 	snop  }
0x7: {  	_ = 	snop  }
__scs_overlays_trampoline_lowered:
0x8: {  	[smem:$0x3FAD] =	sst s0  }
0x9: {  	[smem:$0x3FAE] =	sst s1  }
0xa: {  	[smem:$0x3FAF] =	sst s2  }
0xb: {  	[smem:$0x3FB0] =	sst s3  }
0xc: {  	[smem:$0x3FB1] =	sst s4  }
0xd: {  	[smem:$0x3FB2] =	sst s5  }
0xe: {  	[smem:$0x3FB3] =	sst s6  }
0xf: {  	[smem:$0x3FB4] =	sst s7  }
0x10: {  	[smem:$0x3FB5] =	sst s8  }
0x11: {  	[smem:$0x3FB6] =	sst s9;
	s0 =	simm.s32 @!p0 $0x0  }
0x12: {  	s1 =	sld [smem:$0x3F9C];
	s0 =	simm.s32 @p0 $0x1  }
0x13: {  	[smem:$0x3FB7] =	sst s0;
	s0 =	simm.s32 @!p1 $0x0  }
0x14: {  	s2 =	sld [smem:$0x3F9B];
	s0 =	simm.s32 @p1 $0x1  }
0x15: {  	[smem:$0x3FB8] =	sst s0;
	s0 =	simm.s32 @!p2 $0x0  }
0x16: {  	s3 =	sld [smem:$0x3FDB];
	s0 =	simm.s32 @p2 $0x1  }
0x17: {  	s4 =	simm.s32 $0x1BF5;
	[smem:$0x3FBA] =	sst s0  }
0x18: {  	s0 =	sld [smem:$0x3F9D];
	_ =	swait.ge [sflag:s4], $0x0  }
0x19: {  	s7 =	sld [smem:$0x3F9E]  }
0x1a: {  	s8 =	sadd.s32 $0xFFFFE003, lr  }
0x1b: {  	s9 =	sadd.s32 $0xFFFFFEF7, lr;
	s5 =	simm.s32 $0xFFFFFFFF;
	p2 =	slt.u32 s8, $0xFFFFF086  }
0x1c: {  	p1 =	slt.u32 s9, $0xF7A;
	s5 =	simm.s32 @!p2 $0x0  }
0x1d: {  	s5 =	simm.s32 @p1 $0x1;
	p0 =	seq.s32 s7, s2  }
0x1e: {  	s7 =	smul.u32 @!p0 $0xF7A, s2;
	p2 =	seq.s32 @!p0 s5, $0x0  }
0x1f: {  	s9 =	smul.u32 $0xF7A, s1;
	s8 =	simm.s32 @!p0 $0x1BF5;
	p2 =	por !p2, p0  }
0x20: {  	[sflag:s8] =	ssyncset.s32 @!p0 $0xFFFFF086;
	s6 =	sadd.s32 @!p0 s3, s7;
	s7 =	simm.s32 @!p0 $0x108  }
0x21: {  	s3 =	sadd.s32 s3, s9;
	s6 =	sadd.s32 @!p0 $0x88, s6;
	s7 =	simm.s32 @p2 $0x1082  }
0x22: {  	[simem:s7], [sflag:s8] =	dma.local @!p0 [hbm:s6], $0xF7A  }
0x23: {  	s9 =	sor.u32 $0xD0000000, s2;
	s6 =	simm.s32 $0x108;
	_ =	swait.ge @!p0 [sflag:s8], $0x0  }
0x24: {  	s3 =	sadd.s32 $0x88, s3;
	s6 =	simm.s32 @!p1 $0x1082;
	[sflag:s4] =	ssyncset.s32 $0xFFFFF086  }
0x25: {  	[simem:s6], [sflag:s4] =	dma.local [hbm:s3], $0xF7A  }
0x26: {  	[smem:$0x3F9E] =	sst s1;
	(tag) =	ssettag s2;
	_ =	strace s9  }
0x27: {  	s1 =	sld [smem:$0x3FAE]  }
0x28: {  	s2 =	sld [smem:$0x3FAF]  }
0x29: {  	s4 =	sld [smem:$0x3FB1]  }
0x2a: {  	p0 =	seq.s32 s5, $0x0;
	s5 =	sld [smem:$0x3FB2]  }
0x2b: {  	s6 =	sld [smem:$0x3FB3]  }
0x2c: {  	s7 =	sld [smem:$0x3FB4]  }
0x2d: {  	s3 =	simm.s32 $0x108;
	s8 =	sld [smem:$0x3FB5]  }
0x2e: {  	s3 =	simm.s32 @!p0 $0x1082;
	s9 =	sld [smem:$0x3FB6]  }
0x2f: {  	lr =	sadd.s32 s0, s3;
	s0 =	sld [smem:$0x3FAD]  }
0x30: {  	s3 =	sld [smem:$0x3FB0]  }
0x31: {  	[smem:$0x3FB9] =	sst s10  }
0x32: {  	s10 =	sld [smem:$0x3FB7];
	_ =	sdelay $0x3  }
0x33: {  	p0 =	seq.s32 s10, $0x1;
	s10 =	sld [smem:$0x3FB9];
	_ =	sdelay $0x3  }
0x34: {  	[smem:$0x3FB9] =	sst s10  }
0x35: {  	s10 =	sld [smem:$0x3FB8];
	_ =	sdelay $0x3  }
0x36: {  	p1 =	seq.s32 s10, $0x1;
	s10 =	sld [smem:$0x3FB9];
	_ =	sdelay $0x3  }
0x37: {  	[smem:$0x3FB9] =	sst s10  }
0x38: {  	s10 =	sld [smem:$0x3FBA]  }
0x39: {  	_ = 	snop;
	(pc) =	sbr.ind lr, $3  }
0x3a: {  	_ = 	snop  }
0x3b: {  	_ = 	snop  }
0x3c: {  	p2 =	seq.s32 s10, $0x1;
	s10 =	sld [smem:$0x3FB9]  }
0x3d: {  	_ =	shalt  }
0x3e: {  	_ =	shalt  }
0x3f: {  	_ =	shalt  }
0x40: {  	_ =	shalt  }
0x41: {  	_ =	shalt  }
0x42: {  	_ =	shalt  }
0x43: {  	_ =	shalt  }
0x44: {  	_ =	shalt  }
0x45: {  	_ =	shalt  }
0x46: {  	_ =	shalt  }
0x47: {  	_ =	shalt  }
0x48: {  	_ =	shalt  }
0x49: {  	_ =	shalt  }
0x4a: {  	_ =	shalt  }
0x4b: {  	_ =	shalt  }
0x4c: {  	_ =	shalt  }
0x4d: {  	_ =	shalt  }
0x4e: {  	_ =	shalt  }
0x4f: {  	_ =	shalt  }
0x50: {  	_ =	shalt  }
0x51: {  	_ =	shalt  }
0x52: {  	_ =	shalt  }
0x53: {  	_ =	shalt  }
0x54: {  	_ =	shalt  }
0x55: {  	_ =	shalt  }
0x56: {  	_ =	shalt  }
0x57: {  	_ =	shalt  }
0x58: {  	_ =	shalt  }
0x59: {  	_ =	shalt  }
0x5a: {  	_ =	shalt  }
0x5b: {  	_ =	shalt  }
0x5c: {  	_ =	shalt  }
0x5d: {  	_ =	shalt  }
0x5e: {  	_ =	shalt  }
0x5f: {  	_ =	shalt  }
0x60: {  	_ =	shalt  }
0x61: {  	_ =	shalt  }
0x62: {  	_ =	shalt  }
0x63: {  	_ =	shalt  }
0x64: {  	_ =	shalt  }
0x65: {  	_ =	shalt  }
0x66: {  	_ =	shalt  }
0x67: {  	_ =	shalt  }
0x68: {  	_ =	shalt  }
0x69: {  	_ =	shalt  }
0x6a: {  	_ =	shalt  }
0x6b: {  	_ =	shalt  }
0x6c: {  	_ =	shalt  }
0x6d: {  	_ =	shalt  }
0x6e: {  	_ =	shalt  }
0x6f: {  	_ =	shalt  }
0x70: {  	_ =	shalt  }
0x71: {  	_ =	shalt  }
0x72: {  	_ =	shalt  }
0x73: {  	_ =	shalt  }
0x74: {  	_ =	shalt  }
0x75: {  	_ =	shalt  }
0x76: {  	_ =	shalt  }
0x77: {  	_ =	shalt  }
0x78: {  	_ =	shalt  }
0x79: {  	_ =	shalt  }
0x7a: {  	_ =	shalt  }
0x7b: {  	_ =	shalt  }
0x7c: {  	_ =	shalt  }
0x7d: {  	_ =	shalt  }
0x7e: {  	_ =	shalt  }
0x7f: {  	_ =	shalt  }
0x80: {  	_ =	shalt  }
0x81: {  	_ =	shalt  }
0x82: {  	_ =	shalt  }
0x83: {  	_ =	shalt  }
0x84: {  	_ =	shalt  }
0x85: {  	_ =	shalt  }
0x86: {  	_ =	shalt  }
0x87: {  	_ =	shalt  }
.Lfunc_end0:
.L_simem_size_0:
called_computation_lowered:
.L_overlay_start_0:
0x88: {  	s2 =	sld [smem:$0x3FD9]  }
0x89: {  	s3 =	sld [smem:$0x3FFE];
	_ =	sdelay $0x1  }
0x8a: {  	s1 =	srdreg.scid  }
0x8b: {  	s0 =	sand.u32 $0x1, s1  }
0x8c: {  	s17 =	sshll.u32 s0, $0xA;
	s2 =	sadd.s32 s3, s2  }
0x8d: {  	s2 =	sadd.s32 s2, s17  }
0x8e: {  	[smem:$0x3FC5] =	sst s2  }
0x8f: {  	_ = 	snop  }
0x90: {  	s2 =	sld [smem:$0x3FC7]  }
0x91: {  	s18 =	sld [smem:$0x3FD0];
	(tm) =	ssettm $0x1  }
0x92: {  	s4 =	sld [smem:$0x3FFB];
	_ =	sdelay $0x3  }
0x93: {  	_ =	strace s4  }
0x94: {  	s4 =	sld [smem:$0x3FFC];
	_ =	sdelay $0x3  }
0x95: {  	_ =	strace s4  }
0x96: {  	s4 =	sld [smem:$0x3FFD];
	_ =	sdelay $0x3  }
0x97: {  	_ =	strace s4  }
0x98: {  	_ =	strace $0x8FFFFFFF  }
0x99: {  	s19 =	sld [smem:$0x3FDB];
	_ =	sdelay $0x1  }
0x9a: {  	s5 =	simm.s32 $_scs_section_size  }
0x9b: {  	s6 =	simm.s32 $_size__tile_overlayer_lowered;
	s7 =	simm.s32 $_tile_overlayer_lowered  }
0x9c: {  	s22 =	simm.s32 $0x1BFF;
	s21 =	sshll.u32 s7, $0x1;
	s4 =	sadd.s32 s5, s19  }
0x9d: {  	s8 =	simm.s32 $0x0;
	s20 =	sshll.u32 s6, $0x1;
	s6 =	sadd.s32 s21, s4  }
0x9e: {  	[timem:s8], [sflag:s22] =	dma.local [hbm:s6], s20  }
0x9f: {  	_ =	swait.ge [sflag:s22], s20  }
0xa0: {  	s5 =	ssub.s32 $0x0, s20;
	[sflag:s22] =	ssyncset.done $0x0  }
0xa1: {  	[sflag:s22] =	ssyncadd.s32 s5;
	_ =	sdelay $0x1  }
0xa2: {  	s23 =	simm.s32 $0x1B8B  }
0xa3: {  	_ =	swait.ge [sflag:s23], $0x1  }
0xa4: {  	[sflag:s23] =	ssyncset.done $0x0  }
0xa5: {  	s25 =	simm.s32 $0x1B8E;
	s24 =	sld [smem:$0x3FFE];
	[sflag:s23] =	ssyncadd.s32 $0xFFFFFFFF  }
0xa6: {  	s26 =	simm.s32 $execute0_lowered;
	[smem:$0x3FD2] =	sst s25  }
0xa7: {  	s6 =	sshll.u32 s26, $0x1;
	_ =	strace $0x80000046;
	[dreg:$0x1] =	wrdreg $0xFFFFFFFF  }
0xa8: {  	s28 =	simm.s32 $_size_execute0_lowered;
	s4 =	sadd.s32 s4, s6;
	[dreg:$0x0] =	wrdreg $0x0  }
0xa9: {  	s6 =	sshll.u32 s28, $0x1;
	[dreg:$0x2] =	wrdreg s4  }
0xaa: {  	[dreg:$0x3] =	wrdreg s6  }
0xab: {  	[dreg:$0x4] =	wrdreg $0xC0  }
0xac: {  	_ =	task [dreg:s8], $0x5FFFF  }
0xad: {  	[dreg:$0x1] =	wrdreg $0xFFFFFFFF  }
0xae: {  	[dreg:$0x0] =	wrdreg $0x60  }
0xaf: {  	[dreg:$0x2] =	wrdreg s24  }
0xb0: {  	[dreg:$0x3] =	wrdreg s2  }
0xb1: {  	[dreg:$0x4] =	wrdreg s18  }
0xb2: {  	[dreg:$0x5] =	wrdreg $0x9  }
0xb3: {  	_ =	task.clear_ibuf [dreg:s8], $0x6FFFF;
	_ =	strace $0x90000046  }
0xb4: {  	s29 =	simm.s32 $0x9;
	_ =	strace $0x80000048  }
0xb5: {  	_ =	swait.ge [sflag:s29], $0x1  }
0xb6: {  	[sflag:s29] =	ssyncadd.s32 $0xFFFFFFFF  }
0xb7: {  	_ =	strace $0x90000048  }
0xb8: {  	_ =	sfence  }
0xb9: {  	s30 =	sld [smem:$0x0];
	_ =	sdelay $0x2  }
0xba: {  	s31 =	sshll.u32 s1, $0xD;
	s1 =	sshrl.u32 s1, $0x2  }
0xbb: {  	s3 =	sand.u32 $0x4000, s31;
	s1 =	sadd.s32 s1, s30  }
0xbc: {  	s0 =	sor.u32 s3, s0;
	s1 =	sshll.u32 s1, $0x11  }
0xbd: {  	s0 =	sor.u32 s1, s0  }
0xbe: {  	s0 =	sadd.s32 $0x8F2B, s0  }
0xbf: {  	[sflag:s0] =	ssyncadd.remote.s32 $0x1  }
0xc0: {  	_ =	sfence.sel $0xFFFF  }
0xc1: {  	[dreg:$0x0] =	wrdreg $0xFFFFFFFF;
	(pc) =	sbr.abs _section_cstart, $3  }
0xc2: {  	[dreg:$0x1] =	wrdreg $0xFFFFFFFF  }
0xc3: {  	_ =	task.clear_ibuf [dreg:s8], $0x2FFFF;
	_ =	strace $0x9FFFFFFF  }
0xc4: {  	(tm) =	ssettm $0x7FFFFFFF  }
0xc5: {  	_ =	shalt  }
tec
execute0_lowered:
.L_overlay_start_1:
0x0: {  	(tag) =	ssettag $0x1  }
0x1: {  	s4 =	rddreg [dreg:$0x0]  }
0x2: {  	s1 =	srdreg.scid;
	s2 =	rddreg [dreg:$0x1]  }
0x3: {  	s0 =	stileid.u32;
	s7 =	rddreg [dreg:$0x2];
	s5 =	sand.u32 $0x1, s1  }
0x4: {  	s6 =	smul.u32 $0x1340, s0;
	s3 =	sshll.u32 s0, $0x1;
	s1 =	rddreg [dreg:$0x3]  }
0x5: {  	s8 =	smul.u32 $0x9A0, s5;
	s9 =	sor.u32 s5, s3;
	s3 =	simm.s32 $0x0  }
0x6: {  	s5 =	ssub.s32 $0x2, s5;
	s9 =	smul.u32 $0x9A0, s9;
	[smem:$0x7FF] =	sst s3  }
.Ltmp0:
0x7: {  	s31 =	sshrl.u32 s5, $0x1;
	s6 =	sadd.s32 s8, s6;
	(pc) =	sbr.rel .LBB2_1-.Ltmp0, $4  }
0x8: {  	_ =	strace $0x80000047;
	s5 =	ssub.s32 s5, s31;
	s6 =	sshrl.u32 s6, $0x3  }
0x9: {  	s8 =	simm.s32 $0xA00;
	s30 =	sshrl.u32 s9, $0x3;
	s6 =	smul.u32 $0x300, s6  }
0xa: {  	s5 =	smax.u32 s5, $0x1;
	s9 =	simm.s32 $0x0;
	s4 =	sadd.s32 s30, s4  }
0xb: {  	v0 =	vimm.s32 $0x0;
	s4 =	sadd.s32 $0x600, s4;
	s6 =	sadd.s32 s6, s7;
	s7 =	simm.s32 $0x1  }
.LBB2_6:
0xc: {  	s11 =	simm.s32 @!p4 $0xA00;
	s12 =	simm.s32 @!p4 $0x2;
	p5 =	sne.s32 s13, $0x2A  }
0xd: {  	[hbm4b:s18+s17] =	stream.strided.scatter @!p4 [tilespmem:s11], [sflag:$0x2], $0x300, s19, s17, $0x38;
	[tilespmem:$0xD00] =	vst v63  }
0xe: {  	p0 =	sne.s32 s16, $0x2A;
	p3 =	sne.s32 s15, $0x2A;
	s11 =	sadd.s32 @!p5 s10, s6  }
0xf: {  	s13 =	simm.s32 @!p5 $0x80;
	s15 =	simm.s32 @!p5 $0xA00;
	_ =	swait.ge @!p4 [sflag:s12], $0x300  }
0x10: {  	s16 =	simm.s32 @!p5 $0x2;
	s11 =	sadd.s32 @!p5 $0x320, s11;
	[sflag:s12] =	ssyncset.done @!p4 $0x0  }
0x11: {  	[sflag:s12] =	ssyncadd.s32 @!p4 $0xFFFFFD00;
	s12 =	simm.s32 @!p5 $0x400;
	p4 =	sne.s32 s14, $0x2A  }
0x12: {  	[hbm4b:s11+s13] =	stream.strided.scatter @!p5 [tilespmem:s15], [sflag:$0x2], $0x300, s12, s13, $0x38;
	[tilespmem:$0xD00] =	vst v63  }
0x13: {  	s11 =	sadd.s32 @!p4 s10, s6;
	s12 =	simm.s32 @!p4 $0x400;
	_ =	swait.ge @!p5 [sflag:s16], $0x300  }
0x14: {  	s13 =	simm.s32 @!p4 $0x80;
	s14 =	simm.s32 @!p4 $0xA00;
	[sflag:s16] =	ssyncset.done @!p5 $0x0  }
0x15: {  	s15 =	simm.s32 @!p4 $0x2;
	s11 =	sadd.s32 @!p4 $0x330, s11;
	[sflag:s16] =	ssyncadd.s32 @!p5 $0xFFFFFD00  }
0x16: {  	[hbm4b:s11+s13] =	stream.strided.scatter @!p4 [tilespmem:s14], [sflag:$0x2], $0x300, s12, s13, $0x38;
	[tilespmem:$0xD00] =	vst v63  }
0x17: {  	s11 =	sadd.s32 @!p3 s10, s6;
	s12 =	simm.s32 @!p3 $0x400;
	_ =	swait.ge @!p4 [sflag:s15], $0x300  }
0x18: {  	s13 =	simm.s32 @!p3 $0x80;
	s14 =	simm.s32 @!p3 $0xA00;
	[sflag:s15] =	ssyncset.done @!p4 $0x0  }
0x19: {  	s11 =	sadd.s32 @!p3 $0x340, s11;
	[sflag:s15] =	ssyncadd.s32 @!p4 $0xFFFFFD00;
	s15 =	simm.s32 @!p3 $0x2  }
0x1a: {  	[hbm4b:s11+s13] =	stream.strided.scatter @!p3 [tilespmem:s14], [sflag:$0x2], $0x300, s12, s13, $0x38;
	[tilespmem:$0xD00] =	vst v63  }
0x1b: {  	s11 =	sadd.s32 @!p0 s10, s6;
	_ =	swait.ge @!p3 [sflag:s15], $0x300  }
0x1c: {  	s12 =	simm.s32 @!p0 $0x400;
	s13 =	simm.s32 @!p0 $0x80;
	[sflag:s15] =	ssyncset.done @!p3 $0x0  }
0x1d: {  	s14 =	simm.s32 @!p0 $0xA00;
	s11 =	sadd.s32 @!p0 $0x350, s11;
	[sflag:s15] =	ssyncadd.s32 @!p3 $0xFFFFFD00  }
0x1e: {  	[hbm4b:s11+s13] =	stream.strided.scatter @!p0 [tilespmem:s14], [sflag:$0x2], $0x300, s12, s13, $0x38;
	[tilespmem:$0xD00] =	vst v63  }
0x1f: {  	s15 =	simm.s32 @!p0 $0x2;
	s11 =	sadd.s32 @!p2 s10, s6  }
0x20: {  	s12 =	simm.s32 @!p2 $0x400;
	s13 =	simm.s32 @!p2 $0x80;
	_ =	swait.ge @!p0 [sflag:s15], $0x300  }
0x21: {  	s14 =	simm.s32 @!p2 $0xA00;
	s10 =	sadd.s32 @!p1 s10, s6;
	[sflag:s15] =	ssyncset.done @!p0 $0x0  }
0x22: {  	s11 =	sadd.s32 @!p2 $0x360, s11;
	[sflag:s15] =	ssyncadd.s32 @!p0 $0xFFFFFD00;
	s15 =	simm.s32 @!p2 $0x2  }
0x23: {  	[hbm4b:s11+s13] =	stream.strided.scatter @!p2 [tilespmem:s14], [sflag:$0x2], $0x300, s12, s13, $0x38;
	[tilespmem:$0xD00] =	vst v63  }
0x24: {  	s10 =	sadd.s32 @!p1 $0x370, s10;
	_ =	swait.ge @!p2 [sflag:s15], $0x300  }
0x25: {  	s11 =	simm.s32 @!p1 $0x400;
	s12 =	simm.s32 @!p1 $0x80;
	[sflag:s15] =	ssyncset.done @!p2 $0x0  }
0x26: {  	s13 =	simm.s32 @!p1 $0xA00;
	s14 =	simm.s32 @!p1 $0x1;
	[sflag:s15] =	ssyncadd.s32 @!p2 $0xFFFFFD00  }
0x27: {  	[hbm4b:s10+s12] =	stream.strided.scatter @!p1 [tilespmem:s13], [sflag:$0x1], $0x300, s11, s12, $0x38;
	[tilespmem:$0xD00] =	vst v63  }
0x28: {  	_ =	swait.ge @!p1 [sflag:s14], $0x300  }
0x29: {  	[sflag:s14] =	ssyncset.done @!p1 $0x0  }
0x2a: {  	[sflag:s14] =	ssyncadd.s32 @!p1 $0xFFFFFD00  }
.LBB2_7:
0x2b: {  	s9 =	sadd.s32 $0x1, s9  }
0x2c: {  	p0 =	sne.s32 s9, s5  }
.Ltmp1:
0x2d: {  	_ = 	snop;
	(pc) =	sbr.rel @!p0 .LBB2_8-.Ltmp1, $1  }
0x2e: {  	_ =	sdelay $0x3  }
.LBB2_1:
0x2f: {  	[tilespmem:s3], [sflag:$0x1] =	stream.linear.gather [hbm4b:s4+s3], $0x9A0, $0x38;
	[tilespmem:$0xD00] =	vst v63  }
0x30: {  	_ =	swait.ge [sflag:s7], $0x9A0  }
0x31: {  	[sflag:s7] =	ssyncset.done $0x0  }
0x32: {  	[sflag:s7] =	ssyncadd.s32 $0xFFFFF660  }
0x33: {  	[tilespmem:s8], [sflag:$0x1] =	stream.linear.gather [hbm4b:s2+s3], $0x300, $0x38;
	[tilespmem:$0xD00] =	vst v63  }
0x34: {  	_ =	swait.ge [sflag:s7], $0x300  }
0x35: {  	[sflag:s7] =	ssyncset.done $0x0  }
0x36: {  	s11 =	simm.s32 $0x0;
	[sflag:s7] =	ssyncadd.s32 $0xFFFFFD00  }
0x37: {  	v2 =	vld [tilespmem:s11+$0x0]  }
0x38: {  	s10 =	simm.s32 $0x40;
	v1 =	vimm.s32 $0x0  }
.LBB2_2:
0x39: {  	p0 =	sne.s32 s10, $0x2640  }
.Ltmp2:
0x3a: {  	_ = 	snop;
	(pc) =	sbr.rel @p0 .LBB2_2-.Ltmp2, $4  }
0x3b: {  	_ = 	snop  }
0x3c: {  	s11 =	sshra.s32 s10, $0x2;
	s10 =	sadd.s32 $0x40, s10;
	vm0 =	veq.s32 v2, $0x2A  }
0x3d: {  	v2 =	vld [tilespmem:s11+$0x0];
	v3 =	vsel vm0, $0x1, v0  }
0x3e: {  	v1 =	vor.u32 v3, v1  }
0x3f: {  	_ =	sdelay $0x2  }
0x40: {  	vm0 =	veq.s32 v2, $0x2A  }
0x41: {  	v2 =	vsel vm0, $0x1, v0  }
0x42: {  	v1 =	vor.u32 v2, v1  }
0x43: {  	(v2sf) =	vpush v1, $0x0  }
0x44: {  	(v2sf) =	vpush v1, $0x1  }
0x45: {  	(v2sf) =	vpush v1, $0x2  }
0x46: {  	(v2sf) =	vpush v1, $0x3  }
0x47: {  	(v2sf) =	vpush v1, $0x4  }
0x48: {  	(v2sf) =	vpush v1, $0x5  }
0x49: {  	(v2sf) =	vpush v1, $0x6  }
0x4a: {  	(v2sf) =	vpush v1, $0x7  }
0x4b: {  	(v2sf) =	vpush v1, $0x8  }
0x4c: {  	(v2sf) =	vpush v1, $0x9  }
0x4d: {  	(v2sf) =	vpush v1, $0xA  }
0x4e: {  	(v2sf) =	vpush v1, $0xB  }
0x4f: {  	(v2sf) =	vpush v1, $0xC  }
0x50: {  	(v2sf) =	vpush v1, $0xD  }
0x51: {  	(v2sf) =	vpush v1, $0xE  }
0x52: {  	s10 =	spop (v2sf);
	(v2sf) =	vpush v1, $0xF  }
0x53: {  	s11 =	spop (v2sf)  }
0x54: {  	s10 =	sor.u32 s11, s10;
	s17 =	spop (v2sf)  }
0x55: {  	s10 =	sor.u32 s17, s10;
	s18 =	spop (v2sf)  }
0x56: {  	s10 =	sor.u32 s18, s10;
	s19 =	spop (v2sf)  }
0x57: {  	s10 =	sor.u32 s19, s10;
	s20 =	spop (v2sf)  }
0x58: {  	s10 =	sor.u32 s20, s10;
	s21 =	spop (v2sf)  }
0x59: {  	s10 =	sor.u32 s21, s10;
	s22 =	spop (v2sf)  }
0x5a: {  	s10 =	sor.u32 s22, s10;
	s23 =	spop (v2sf)  }
0x5b: {  	s10 =	sor.u32 s23, s10;
	s24 =	spop (v2sf)  }
0x5c: {  	s10 =	sor.u32 s24, s10;
	s25 =	spop (v2sf)  }
0x5d: {  	s10 =	sor.u32 s25, s10;
	s26 =	spop (v2sf)  }
0x5e: {  	s10 =	sor.u32 s26, s10;
	s28 =	spop (v2sf)  }
0x5f: {  	s10 =	sor.u32 s28, s10;
	s29 =	spop (v2sf)  }
0x60: {  	s10 =	sor.u32 s29, s10;
	s30 =	spop (v2sf)  }
0x61: {  	s10 =	sor.u32 s30, s10;
	s31 =	spop (v2sf)  }
0x62: {  	s10 =	sor.u32 s31, s10  }
0x63: {  	p0 =	slt.s32 s10, $0x1  }
.Ltmp3:
0x64: {  	_ = 	snop;
	(pc) =	sbr.rel @p0 .LBB2_7-.Ltmp3, $2  }
0x65: {  	_ =	sdelay $0x2  }
0x66: {  	s10 =	simm.s32 $0x0  }
0x67: {  	v1 =	vld [tilespmem:s10+$0x0];
	_ =	sdelay $0x4  }
0x68: {  	(v2sf) =	vpush v1, $0x0  }
0x69: {  	(v2sf) =	vpush v1, $0x4  }
0x6a: {  	(v2sf) =	vpush v1, $0x9  }
0x6b: {  	(v2sf) =	vpush v1, $0x1;
	_ =	sdelay $0x2  }
0x6c: {  	(v2sf) =	vpush v1, $0xA;
	_ =	sdelay $0x1  }
0x6d: {  	(v2sf) =	vpush v1, $0x2;
	_ =	sdelay $0x4  }
0x6e: {  	(v2sf) =	vpush v1, $0x3;
	_ =	sdelay $0x1  }
0x6f: {  	s11 =	spop (v2sf);
	(v2sf) =	vpush v1, $0xB  }
0x70: {  	p0 =	sne.s32 s11, $0x2A;
	s31 =	spop (v2sf);
	(v2sf) =	vpush v1, $0xC  }
0x71: {  	s12 =	simm.s32 @!p0 $0xA00;
	(v2sf) =	vpush v1, $0x6;
	s17 =	spop (v2sf);
	s13 =	sadd.s32 @!p0 $0x0, s6  }
0x72: {  	s16 =	simm.s32 @!p0 $0x400;
	s18 =	simm.s32 @!p0 $0x80;
	s15 =	spop (v2sf);
	(v2sf) =	vpush v1, $0xD  }
0x73: {  	[hbm4b:s13+s18] =	stream.strided.scatter @!p0 [tilespmem:s12], [sflag:$0x2], $0x300, s16, s18, $0x38;
	(v2sf) =	vpush v1, $0x5;
	[tilespmem:$0xD00] =	vst v63  }
0x74: {  	s11 =	simm.s32 $0x600;
	s14 =	simm.s32 @!p0 $0x2;
	p2 =	sne.s32 s15, $0x2A  }
0x75: {  	s13 =	spop (v2sf);
	s12 =	sadd.s32 @!p2 $0x0, s6;
	s15 =	simm.s32 @!p2 $0x80  }
0x76: {  	s16 =	simm.s32 @!p2 $0x400;
	_ =	swait.ge @!p0 [sflag:s14], $0x300;
	s19 =	simm.s32 @!p2 $0x2  }
0x77: {  	s12 =	sadd.s32 @!p2 $0x10, s12;
	s24 =	spop (v2sf);
	[sflag:s14] =	ssyncset.done @!p0 $0x0  }
0x78: {  	p1 =	sne.s32 s24, $0x2A;
	[sflag:s14] =	ssyncadd.s32 @!p0 $0xFFFFFD00;
	s14 =	simm.s32 @!p2 $0xA00  }
0x79: {  	(v2sf) =	vpush v1, $0x7;
	[hbm4b:s12+s15] =	stream.strided.scatter @!p2 [tilespmem:s14], [sflag:$0x2], $0x300, s16, s15, $0x38;
	[tilespmem:$0xD00] =	vst v63  }
0x7a: {  	s12 =	sadd.s32 @!p1 $0x0, s6;
	s14 =	simm.s32 @!p1 $0x400;
	_ =	swait.ge @!p2 [sflag:s19], $0x300  }
0x7b: {  	s15 =	simm.s32 @!p1 $0x80;
	s18 =	simm.s32 @!p1 $0xA00;
	[sflag:s19] =	ssyncset.done @!p2 $0x0  }
0x7c: {  	s12 =	sadd.s32 @!p1 $0x20, s12;
	s25 =	spop (v2sf);
	[sflag:s19] =	ssyncadd.s32 @!p2 $0xFFFFFD00  }
0x7d: {  	[hbm4b:s12+s15] =	stream.strided.scatter @!p1 [tilespmem:s18], [sflag:$0x2], $0x300, s14, s15, $0x38;
	[tilespmem:$0xD00] =	vst v63  }
0x7e: {  	p3 =	sne.s32 s31, $0x2A;
	p4 =	sne.s32 s17, $0x2A;
	(v2sf) =	vpush v1, $0xE;
	s14 =	spop (v2sf)  }
0x7f: {  	s17 =	simm.s32 @!p4 $0x80;
	p2 =	sne.s32 s25, $0x2A;
	(v2sf) =	vpush v1, $0x8;
	s15 =	spop (v2sf)  }
0x80: {  	s18 =	simm.s32 @!p1 $0x2;
	s19 =	sadd.s32 @!p2 $0x0, s6;
	s26 =	spop (v2sf)  }
0x81: {  	s20 =	simm.s32 @!p2 $0x80;
	s22 =	simm.s32 @!p2 $0x400;
	s16 =	spop (v2sf)  }
0x82: {  	s23 =	simm.s32 @!p2 $0xA00;
	s24 =	simm.s32 @!p2 $0x2;
	(v2sf) =	vpush v1, $0xF;
	s21 =	spop (v2sf)  }
0x83: {  	s19 =	sadd.s32 @!p2 $0x30, s19;
	_ =	swait.ge @!p1 [sflag:s18], $0x300;
	p0 =	sne.s32 s21, $0x2A  }
0x84: {  	[sflag:s18] =	ssyncset.done @!p1 $0x0;
	s21 =	sadd.s32 @!p0 $0x0, s6;
	s25 =	simm.s32 @!p0 $0x80  }
0x85: {  	[sflag:s18] =	ssyncadd.s32 @!p1 $0xFFFFFD00;
	s18 =	sadd.s32 @!p0 $0x50, s21;
	s21 =	sadd.s32 @!p3 $0x0, s6  }
0x86: {  	[hbm4b:s19+s20] =	stream.strided.scatter @!p2 [tilespmem:s23], [sflag:$0x2], $0x300, s22, s20, $0x38;
	[tilespmem:$0xD00] =	vst v63  }
0x87: {  	s19 =	simm.s32 @!p3 $0x80;
	s20 =	simm.s32 @!p3 $0xA00;
	_ =	swait.ge @!p2 [sflag:s24], $0x300  }
0x88: {  	s22 =	simm.s32 @!p3 $0x2;
	s21 =	sadd.s32 @!p3 $0x40, s21;
	[sflag:s24] =	ssyncset.done @!p2 $0x0  }
0x89: {  	s23 =	simm.s32 @!p3 $0x400;
	s28 =	spop (v2sf);
	[sflag:s24] =	ssyncadd.s32 @!p2 $0xFFFFFD00  }
0x8a: {  	[hbm4b:s21+s19] =	stream.strided.scatter @!p3 [tilespmem:s20], [sflag:$0x2], $0x300, s23, s19, $0x38;
	[tilespmem:$0xD00] =	vst v63  }
0x8b: {  	p1 =	sne.s32 s28, $0x2A;
	p2 =	sne.s32 s26, $0x2A;
	s19 =	simm.s32 @!p0 $0x400  }
0x8c: {  	s20 =	simm.s32 @!p0 $0xA00;
	s23 =	sadd.s32 @!p2 $0x0, s6;
	_ =	swait.ge @!p3 [sflag:s22], $0x300  }
0x8d: {  	s24 =	simm.s32 @!p2 $0x80;
	s29 =	spop (v2sf);
	[sflag:s22] =	ssyncset.done @!p3 $0x0  }
0x8e: {  	s30 =	spop (v2sf);
	[sflag:s22] =	ssyncadd.s32 @!p3 $0xFFFFFD00;
	s22 =	simm.s32 @!p0 $0x2  }
0x8f: {  	[hbm4b:s18+s25] =	stream.strided.scatter @!p0 [tilespmem:s20], [sflag:$0x2], $0x300, s19, s25, $0x38;
	[tilespmem:$0xD00] =	vst v63  }
0x90: {  	s18 =	sadd.s32 @!p1 $0x0, s6;
	s19 =	simm.s32 @!p2 $0xA00;
	_ =	swait.ge @!p0 [sflag:s22], $0x300  }
0x91: {  	s20 =	simm.s32 @!p2 $0x400;
	s31 =	spop (v2sf);
	[sflag:s22] =	ssyncset.done @!p0 $0x0  }
0x92: {  	[sflag:s22] =	ssyncadd.s32 @!p0 $0xFFFFFD00;
	s22 =	sadd.s32 @!p2 $0x60, s23;
	s23 =	simm.s32 @!p2 $0x2  }
0x93: {  	[hbm4b:s22+s24] =	stream.strided.scatter @!p2 [tilespmem:s19], [sflag:$0x2], $0x300, s20, s24, $0x38;
	[tilespmem:$0xD00] =	vst v63  }
0x94: {  	p3 =	sne.s32 s30, $0x2A;
	s25 =	simm.s32 @!p1 $0xA00;
	_ =	swait.ge @!p2 [sflag:s23], $0x300  }
0x95: {  	s18 =	sadd.s32 @!p1 $0x70, s18;
	s22 =	simm.s32 @!p1 $0x80;
	[sflag:s23] =	ssyncset.done @!p2 $0x0  }
0x96: {  	s24 =	simm.s32 @!p1 $0x2;
	[sflag:s23] =	ssyncadd.s32 @!p2 $0xFFFFFD00;
	s23 =	simm.s32 @!p1 $0x400  }
0x97: {  	[hbm4b:s18+s22] =	stream.strided.scatter @!p1 [tilespmem:s25], [sflag:$0x2], $0x300, s23, s22, $0x38;
	[tilespmem:$0xD00] =	vst v63  }
0x98: {  	s19 =	sadd.s32 @!p3 $0x0, s6;
	s20 =	simm.s32 @!p3 $0x2;
	_ =	swait.ge @!p1 [sflag:s24], $0x300  }
0x99: {  	s18 =	sadd.s32 @!p3 $0x300, s19;
	s19 =	simm.s32 @!p3 $0x400;
	[sflag:s24] =	ssyncset.done @!p1 $0x0  }
0x9a: {  	s22 =	simm.s32 @!p3 $0x80;
	s23 =	simm.s32 @!p3 $0xA00;
	[sflag:s24] =	ssyncadd.s32 @!p1 $0xFFFFFD00  }
0x9b: {  	[hbm4b:s18+s22] =	stream.strided.scatter @!p3 [tilespmem:s23], [sflag:$0x2], $0x300, s19, s22, $0x38;
	[tilespmem:$0xD00] =	vst v63  }
0x9c: {  	s12 =	simm.s32 $0x10;
	p2 =	sne.s32 s29, $0x2A;
	_ =	swait.ge @!p3 [sflag:s20], $0x300  }
0x9d: {  	p1 =	sne.s32 s31, $0x2A;
	s18 =	sadd.s32 @!p4 $0x0, s6;
	[sflag:s20] =	ssyncset.done @!p3 $0x0  }
0x9e: {  	s19 =	simm.s32 @!p4 $0x400;
	s18 =	sadd.s32 @!p4 $0x310, s18;
	[sflag:s20] =	ssyncadd.s32 @!p3 $0xFFFFFD00  }
.LBB2_5:
0x9f: {  	s20 =	simm.s32 @!p4 $0xA00;
	s21 =	simm.s32 @!p4 $0x2;
	p0 =	sne.s32 s16, $0x2A  }
0xa0: {  	[hbm4b:s18+s17] =	stream.strided.scatter @!p4 [tilespmem:s20], [sflag:$0x2], $0x300, s19, s17, $0x38;
	[tilespmem:$0xD00] =	vst v63  }
0xa1: {  	p5 =	sne.s32 s13, $0x2A;
	p3 =	sne.s32 s15, $0x2A;
	_ =	swait.ge @!p4 [sflag:s21], $0x300  }
0xa2: {  	s13 =	sadd.s32 @!p5 s10, s6;
	s15 =	simm.s32 @!p5 $0x80;
	[sflag:s21] =	ssyncset.done @!p4 $0x0  }
0xa3: {  	s16 =	simm.s32 @!p5 $0x400;
	s13 =	sadd.s32 @!p5 $0x320, s13;
	[sflag:s21] =	ssyncadd.s32 @!p4 $0xFFFFFD00  }
0xa4: {  	s17 =	simm.s32 @!p5 $0xA00;
	s18 =	simm.s32 @!p5 $0x2;
	p4 =	sne.s32 s14, $0x2A  }
0xa5: {  	[hbm4b:s13+s15] =	stream.strided.scatter @!p5 [tilespmem:s17], [sflag:$0x2], $0x300, s16, s15, $0x38;
	[tilespmem:$0xD00] =	vst v63  }
0xa6: {  	s14 =	simm.s32 @!p4 $0x400;
	s13 =	sadd.s32 @!p4 s10, s6;
	_ =	swait.ge @!p5 [sflag:s18], $0x300  }
0xa7: {  	s15 =	simm.s32 @!p4 $0x80;
	s13 =	sadd.s32 @!p4 $0x330, s13;
	[sflag:s18] =	ssyncset.done @!p5 $0x0  }
0xa8: {  	s16 =	simm.s32 @!p4 $0xA00;
	s17 =	simm.s32 @!p4 $0x2;
	[sflag:s18] =	ssyncadd.s32 @!p5 $0xFFFFFD00  }
0xa9: {  	[hbm4b:s13+s15] =	stream.strided.scatter @!p4 [tilespmem:s16], [sflag:$0x2], $0x300, s14, s15, $0x38;
	[tilespmem:$0xD00] =	vst v63  }
0xaa: {  	s13 =	sadd.s32 @!p3 s10, s6;
	s14 =	simm.s32 @!p3 $0x400;
	_ =	swait.ge @!p4 [sflag:s17], $0x300  }
0xab: {  	s15 =	simm.s32 @!p3 $0x80;
	s13 =	sadd.s32 @!p3 $0x340, s13;
	[sflag:s17] =	ssyncset.done @!p4 $0x0  }
0xac: {  	s16 =	simm.s32 @!p3 $0xA00;
	[sflag:s17] =	ssyncadd.s32 @!p4 $0xFFFFFD00;
	s17 =	simm.s32 @!p3 $0x2  }
0xad: {  	[hbm4b:s13+s15] =	stream.strided.scatter @!p3 [tilespmem:s16], [sflag:$0x2], $0x300, s14, s15, $0x38;
	[tilespmem:$0xD00] =	vst v63  }
0xae: {  	s13 =	sadd.s32 @!p0 s10, s6;
	s14 =	simm.s32 @!p0 $0x400;
	_ =	swait.ge @!p3 [sflag:s17], $0x300  }
0xaf: {  	s15 =	simm.s32 @!p0 $0x80;
	s13 =	sadd.s32 @!p0 $0x350, s13;
	[sflag:s17] =	ssyncset.done @!p3 $0x0  }
0xb0: {  	s16 =	simm.s32 @!p0 $0xA00;
	[sflag:s17] =	ssyncadd.s32 @!p3 $0xFFFFFD00;
	s17 =	simm.s32 @!p0 $0x2  }
0xb1: {  	[hbm4b:s13+s15] =	stream.strided.scatter @!p0 [tilespmem:s16], [sflag:$0x2], $0x300, s14, s15, $0x38;
	[tilespmem:$0xD00] =	vst v63  }
0xb2: {  	s13 =	sadd.s32 @!p2 s10, s6;
	s14 =	simm.s32 @!p2 $0x400;
	_ =	swait.ge @!p0 [sflag:s17], $0x300  }
0xb3: {  	s15 =	simm.s32 @!p2 $0x80;
	s13 =	sadd.s32 @!p2 $0x360, s13;
	[sflag:s17] =	ssyncset.done @!p0 $0x0  }
0xb4: {  	s16 =	simm.s32 @!p2 $0xA00;
	[sflag:s17] =	ssyncadd.s32 @!p0 $0xFFFFFD00;
	s17 =	simm.s32 @!p2 $0x2  }
0xb5: {  	[hbm4b:s13+s15] =	stream.strided.scatter @!p2 [tilespmem:s16], [sflag:$0x2], $0x300, s14, s15, $0x38;
	[tilespmem:$0xD00] =	vst v63  }
0xb6: {  	s10 =	sadd.s32 @!p1 s10, s6;
	s13 =	simm.s32 @!p1 $0x400;
	_ =	swait.ge @!p2 [sflag:s17], $0x300  }
0xb7: {  	s10 =	sadd.s32 @!p1 $0x370, s10;
	s14 =	simm.s32 @!p1 $0x80;
	[sflag:s17] =	ssyncset.done @!p2 $0x0  }
0xb8: {  	s15 =	simm.s32 @!p1 $0xA00;
	s16 =	simm.s32 @!p1 $0x1;
	[sflag:s17] =	ssyncadd.s32 @!p2 $0xFFFFFD00  }
0xb9: {  	[hbm4b:s10+s14] =	stream.strided.scatter @!p1 [tilespmem:s15], [sflag:$0x1], $0x300, s13, s14, $0x38;
	[tilespmem:$0xD00] =	vst v63  }
0xba: {  	s10 =	smov.u32 s11;
	s11 =	sadd.s32 $0x600, s11;
	_ =	swait.ge @!p1 [sflag:s16], $0x300  }
0xbb: {  	p0 =	sne.s32 s11, $0x39C00;
	[sflag:s16] =	ssyncset.done @!p1 $0x0  }
0xbc: {  	[sflag:s16] =	ssyncadd.s32 @!p1 $0xFFFFFD00  }
0xbd: {  	v1 =	vld [tilespmem:s12+$0x0];
	_ =	sdelay $0x4  }
0xbe: {  	(v2sf) =	vpush v1, $0x0  }
0xbf: {  	(v2sf) =	vpush v1, $0x4  }
0xc0: {  	(v2sf) =	vpush v1, $0x9  }
0xc1: {  	(v2sf) =	vpush v1, $0x1  }
0xc2: {  	(v2sf) =	vpush v1, $0xA;
	_ =	sdelay $0x2  }
0xc3: {  	(v2sf) =	vpush v1, $0x2;
	_ =	sdelay $0x4  }
0xc4: {  	(v2sf) =	vpush v1, $0x3;
	_ =	sdelay $0x2  }
0xc5: {  	s13 =	spop (v2sf);
	(v2sf) =	vpush v1, $0xB  }
0xc6: {  	p1 =	sne.s32 s13, $0x2A;
	s18 =	spop (v2sf);
	(v2sf) =	vpush v1, $0xC  }
0xc7: {  	s14 =	simm.s32 @!p1 $0xA00;
	s15 =	simm.s32 @!p1 $0x2;
	(v2sf) =	vpush v1, $0x6;
	s17 =	spop (v2sf)  }
0xc8: {  	s16 =	sadd.s32 @!p1 s10, s6;
	s19 =	simm.s32 @!p1 $0x400;
	s13 =	spop (v2sf);
	(v2sf) =	vpush v1, $0xD  }
0xc9: {  	s20 =	simm.s32 @!p1 $0x80;
	p3 =	sne.s32 s13, $0x2A;
	(v2sf) =	vpush v1, $0x5;
	s13 =	spop (v2sf)  }
0xca: {  	[hbm4b:s16+s20] =	stream.strided.scatter @!p1 [tilespmem:s14], [sflag:$0x2], $0x300, s19, s20, $0x38;
	[tilespmem:$0xD00] =	vst v63  }
0xcb: {  	s14 =	sadd.s32 @!p3 s10, s6;
	s16 =	simm.s32 @!p3 $0x80;
	s19 =	simm.s32 @!p3 $0x400  }
0xcc: {  	_ =	swait.ge @!p1 [sflag:s15], $0x300  }
0xcd: {  	s14 =	sadd.s32 @!p3 $0x10, s14;
	s20 =	spop (v2sf)  }
0xce: {  	s21 =	simm.s32 @!p3 $0x2;
	[sflag:s15] =	ssyncset.done @!p1 $0x0;
	p2 =	sne.s32 s20, $0x2A  }
0xcf: {  	[sflag:s15] =	ssyncadd.s32 @!p1 $0xFFFFFD00;
	s15 =	simm.s32 @!p3 $0xA00;
	s20 =	sadd.s32 @!p2 s10, s6;
	(v2sf) =	vpush v1, $0x7  }
0xd0: {  	[hbm4b:s14+s16] =	stream.strided.scatter @!p3 [tilespmem:s15], [sflag:$0x2], $0x300, s19, s16, $0x38;
	[tilespmem:$0xD00] =	vst v63  }
0xd1: {  	s14 =	simm.s32 @!p2 $0x400;
	s19 =	simm.s32 @!p2 $0x2;
	_ =	swait.ge @!p3 [sflag:s21], $0x300  }
0xd2: {  	s15 =	sadd.s32 @!p2 $0x20, s20;
	[sflag:s21] =	ssyncset.done @!p3 $0x0;
	s16 =	spop (v2sf)  }
0xd3: {  	s20 =	simm.s32 @!p2 $0x80;
	[sflag:s21] =	ssyncadd.s32 @!p3 $0xFFFFFD00;
	s21 =	simm.s32 @!p2 $0xA00  }
0xd4: {  	[hbm4b:s15+s20] =	stream.strided.scatter @!p2 [tilespmem:s21], [sflag:$0x2], $0x300, s14, s20, $0x38;
	(v2sf) =	vpush v1, $0xE;
	[tilespmem:$0xD00] =	vst v63  }
0xd5: {  	p3 =	sne.s32 s16, $0x2A;
	(v2sf) =	vpush v1, $0x8;
	s14 =	spop (v2sf)  }
0xd6: {  	s16 =	sadd.s32 @!p3 s10, s6;
	s20 =	simm.s32 @!p3 $0x80;
	s15 =	spop (v2sf)  }
0xd7: {  	s21 =	sadd.s32 @!p3 $0x30, s16;
	s22 =	spop (v2sf)  }
0xd8: {  	s23 =	simm.s32 @!p3 $0x400;
	s16 =	spop (v2sf);
	(v2sf) =	vpush v1, $0xF  }
0xd9: {  	s24 =	simm.s32 @!p3 $0xA00;
	s25 =	spop (v2sf)  }
0xda: {  	s26 =	simm.s32 @!p3 $0x2;
	_ =	swait.ge @!p2 [sflag:s19], $0x300;
	p1 =	sne.s32 s25, $0x2A  }
0xdb: {  	[sflag:s19] =	ssyncset.done @!p2 $0x0;
	s25 =	sadd.s32 @!p1 s10, s6;
	s28 =	simm.s32 @!p1 $0x80  }
0xdc: {  	[sflag:s19] =	ssyncadd.s32 @!p2 $0xFFFFFD00;
	s19 =	sadd.s32 @!p1 $0x50, s25;
	s25 =	simm.s32 @!p1 $0x400  }
0xdd: {  	[hbm4b:s21+s20] =	stream.strided.scatter @!p3 [tilespmem:s24], [sflag:$0x2], $0x300, s23, s20, $0x38;
	[tilespmem:$0xD00] =	vst v63  }
0xde: {  	_ =	swait.ge @!p3 [sflag:s26], $0x300  }
0xdf: {  	p4 =	sne.s32 s18, $0x2A;
	s18 =	spop (v2sf)  }
0xe0: {  	s20 =	simm.s32 @!p4 $0x80;
	s21 =	simm.s32 @!p4 $0xA00;
	s23 =	simm.s32 @!p1 $0xA00  }
0xe1: {  	s29 =	simm.s32 @!p4 $0x2;
	s24 =	sadd.s32 @!p4 s10, s6;
	[sflag:s26] =	ssyncset.done @!p3 $0x0  }
0xe2: {  	s24 =	sadd.s32 @!p4 $0x40, s24;
	[sflag:s26] =	ssyncadd.s32 @!p3 $0xFFFFFD00;
	s26 =	simm.s32 @!p4 $0x400  }
0xe3: {  	[hbm4b:s24+s20] =	stream.strided.scatter @!p4 [tilespmem:s21], [sflag:$0x2], $0x300, s26, s20, $0x38;
	[tilespmem:$0xD00] =	vst v63  }
0xe4: {  	_ =	swait.ge @!p4 [sflag:s29], $0x300  }
0xe5: {  	p2 =	sne.s32 s18, $0x2A;
	s18 =	spop (v2sf)  }
0xe6: {  	s20 =	sadd.s32 @!p2 s10, s6;
	[sflag:s29] =	ssyncset.done @!p4 $0x0;
	s21 =	spop (v2sf)  }
0xe7: {  	s24 =	simm.s32 @!p1 $0x2;
	s20 =	sadd.s32 @!p2 $0x70, s20;
	[sflag:s29] =	ssyncadd.s32 @!p4 $0xFFFFFD00  }
0xe8: {  	[hbm4b:s19+s28] =	stream.strided.scatter @!p1 [tilespmem:s23], [sflag:$0x2], $0x300, s25, s28, $0x38;
	[tilespmem:$0xD00] =	vst v63  }
0xe9: {  	_ =	swait.ge @!p1 [sflag:s24], $0x300  }
0xea: {  	p4 =	sne.s32 s22, $0x2A;
	s19 =	spop (v2sf)  }
0xeb: {  	p3 =	sne.s32 s21, $0x2A;
	s22 =	simm.s32 @!p4 $0xA00;
	[sflag:s24] =	ssyncset.done @!p1 $0x0  }
0xec: {  	s21 =	simm.s32 @!p4 $0x400;
	s23 =	sadd.s32 @!p3 s10, s6;
	s25 =	simm.s32 @!p3 $0x2  }
0xed: {  	s26 =	sadd.s32 @!p4 s10, s6;
	s28 =	simm.s32 @!p4 $0x80;
	s23 =	sadd.s32 @!p3 $0x300, s23  }
0xee: {  	[sflag:s24] =	ssyncadd.s32 @!p1 $0xFFFFFD00;
	s24 =	sadd.s32 @!p4 $0x60, s26;
	s26 =	simm.s32 @!p4 $0x2  }
0xef: {  	[hbm4b:s24+s28] =	stream.strided.scatter @!p4 [tilespmem:s22], [sflag:$0x2], $0x300, s21, s28, $0x38;
	[tilespmem:$0xD00] =	vst v63  }
0xf0: {  	s21 =	simm.s32 @!p2 $0x80;
	s22 =	simm.s32 @!p3 $0x400;
	_ =	swait.ge @!p4 [sflag:s26], $0x300  }
0xf1: {  	s24 =	simm.s32 @!p2 $0x2;
	[sflag:s26] =	ssyncset.done @!p4 $0x0  }
0xf2: {  	s28 =	simm.s32 @!p2 $0xA00;
	[sflag:s26] =	ssyncadd.s32 @!p4 $0xFFFFFD00;
	s26 =	simm.s32 @!p2 $0x400  }
0xf3: {  	[hbm4b:s20+s21] =	stream.strided.scatter @!p2 [tilespmem:s28], [sflag:$0x2], $0x300, s26, s21, $0x38;
	[tilespmem:$0xD00] =	vst v63  }
0xf4: {  	s20 =	simm.s32 @!p3 $0x80;
	s21 =	simm.s32 @!p3 $0xA00;
	_ =	swait.ge @!p2 [sflag:s24], $0x300  }
0xf5: {  	s12 =	sadd.s32 $0x10, s12;
	[sflag:s24] =	ssyncset.done @!p2 $0x0  }
.Ltmp4:
0xf6: {  	p1 =	sne.s32 s19, $0x2A;
	[sflag:s24] =	ssyncadd.s32 @!p2 $0xFFFFFD00;
	(pc) =	sbr.rel @p0 .LBB2_5-.Ltmp4, $4  }
0xf7: {  	[hbm4b:s23+s20] =	stream.strided.scatter @!p3 [tilespmem:s21], [sflag:$0x2], $0x300, s22, s20, $0x38;
	[tilespmem:$0xD00] =	vst v63  }
0xf8: {  	p4 =	sne.s32 s17, $0x2A;
	p2 =	sne.s32 s18, $0x2A;
	_ =	swait.ge @!p3 [sflag:s25], $0x300  }
0xf9: {  	s17 =	simm.s32 @!p4 $0x80;
	s18 =	sadd.s32 @!p4 s10, s6;
	[sflag:s25] =	ssyncset.done @!p3 $0x0  }
0xfa: {  	s19 =	simm.s32 @!p4 $0x400;
	s18 =	sadd.s32 @!p4 $0x310, s18;
	[sflag:s25] =	ssyncadd.s32 @!p3 $0xFFFFFD00  }
.Ltmp5:
0xfb: {  	_ = 	snop;
	(pc) =	sbr.rel .LBB2_6-.Ltmp5, $1  }
0xfc: {  	_ =	sdelay $0x3  }
.LBB2_8:
0xfd: {  	_ =	sfence.sel $0x180000  }
0xfe: {  	[bflag:$0x0] =	sbarrier.arrive $0xFFFF  }
0xff: {  	p0 =	sne.s32 s0, $0x0;
	_ =	strace $0x90000047  }
0x100: {  	s0 =	sadd.s32 @!p0 $0x100000, s1;
	[bflag:$0x2] =	sbarrier.arrive $0xFFFF  }
0x101: {  	[sflag:s0] =	ssyncadd.tile.s32 @!p0 $0x1;
	_ =	shalt  }
.Lfunc_end2:
_tile_overlayer_lowered:
.L_overlay_start_2:
0x102: {  	(tag) =	ssettag $0x2  }
0x103: {  	s0 =	rddreg [dreg:$0x0];
	s2 =	stileid.u32  }
0x104: {  	s1 =	rddreg [dreg:$0x1];
	p0 =	sne.s32 s2, $0x0  }
0x105: {  	s3 =	rddreg [dreg:$0x2];
	[bflag:$0x3] =	sbarrier.arrive $0xFFFF;
	s2 =	simm.s32 @!p0 $0x1C01  }
0x106: {  	[timem:s3], [sflag:s2] =	dma.local @!p0 [hbm:s0], s1  }
0x107: {  	s0 =	simm.s32 @!p0 $0x1  }
0x108: {  	_ =	swait.ge @!p0 [sflag:s0], s1  }
0x109: {  	s1 =	ssub.s32 @!p0 $0x0, s1;
	[sflag:s0] =	ssyncset.done @!p0 $0x0  }
0x10a: {  	[sflag:s0] =	ssyncadd.s32 @!p0 s1  }
0x10b: {  	[bflag:$0x3] =	sbarrier.arrive $0xFFFF  }
0x10c: {  	_ =	shalt  }

</sc_bundles>
